<compile_context>
chip_gen: v7x
topology: tpu7x:2x2x1
jax: 0.10.2.dev20260603
libtpu: 0.0.44.dev20260713+nightly
codegen_flags: <defaults>
</compile_context>

<pallas_src>
import functools

import jax
import jax.numpy as jnp
from jax import lax
from jax.experimental import pallas as pl
from jax.experimental.pallas import tpu as pltpu
from jax.experimental.pallas import tpu_sc as plsc

S = 64
D = 8192
N = 7
W = S - N
B = 16

_NUM_WORKERS = 32


def _round_half_even_nonneg(x):
    k0 = x.astype(jnp.int32)
    f = x - k0.astype(jnp.float32)
    zero = jnp.zeros_like(k0)
    tie_up = jnp.where(f == 0.5, k0 & 1, zero)
    up = jnp.where(f > 0.5, jnp.ones_like(k0), tie_up)
    return k0 + up


def _level_idx(x, low, high, num):
    scaled = (x - low) / (high - low) * (num - 1)
    clamped = jnp.minimum(jnp.maximum(scaled, 0.0), float(num - 1))
    return _round_half_even_nonneg(clamped)


def _make_sc_body(nb):
    rpw = (nb * S) // _NUM_WORKERS
    ncr = rpw // 8
    hr_c0 = ncr - nb // 8
    hd = D // 2

    def body(chan_hbm, mt_hbm, ht_hbm, out_hbm,
             xv, idxp, buf0, buf1, sem0, sem1):
        wid = lax.axis_index("s") * 2 + lax.axis_index("c")
        base = wid * rpw
        is_last = wid == _NUM_WORKERS - 1

        pltpu.sync_copy(chan_hbm.at[pl.ds(base, rpw)], xv)
        lane = lax.iota(jnp.int32, 16)
        for h in range(rpw // 16):
            x = xv[pl.ds(h * 16, 16)]
            idx_m = _level_idx(x, -3.0, 3.0, 3000)
            lo = h * 16
            if lo + 16 > hr_c0 * 8:
                idx_h = _level_idx(x, 50.0, 200.0, 200)
                cut = hr_c0 * 8 - lo
                blend = jnp.where(lane >= cut, idx_h, idx_m)

                @pl.when(is_last)
                def _():
                    idxp[h, :] = blend

                @pl.when(jnp.logical_not(is_last))
                def _():
                    idxp[h, :] = idx_m
            else:
                idxp[h, :] = idx_m

        bufs = (buf0, buf1)
        sems = (sem0, sem1)
        steps = [(c, hf) for c in range(ncr) for hf in range(2)]

        def fire(t):
            c, hf = steps[t]
            b = t % 2
            idx_slice = idxp.at[c // 2, pl.ds(8 * (c % 2), 8)]
            cols = pl.ds(hf * hd, hd)
            if c >= hr_c0:
                @pl.when(is_last)
                def _():
                    pltpu.async_copy(
                        ht_hbm.at[idx_slice, cols], bufs[b], sems[b])

                @pl.when(jnp.logical_not(is_last))
                def _():
                    pltpu.async_copy(
                        mt_hbm.at[idx_slice, cols], bufs[b], sems[b])
            else:
                pltpu.async_copy(mt_hbm.at[idx_slice, cols], bufs[b], sems[b])

        def wait(t):
            b = t % 2
            pltpu.make_async_copy(
                out_hbm.at[pl.ds(base, 8), pl.ds(0, hd)],
                bufs[b], sems[b]).wait()

        fire(0)
        for t in range(len(steps)):
            wait(t)
            if t + 1 < len(steps):
                fire(t + 1)
            c, hf = steps[t]
            pltpu.sync_copy(
                bufs[t % 2],
                out_hbm.at[pl.ds(base + c * 8, 8), pl.ds(hf * hd, hd)])

    return body


@functools.partial(jax.jit, static_argnums=(3,))
def _sc_gather(chan_t, motion_table, hr_table, nb):
    mesh = plsc.VectorSubcoreMesh(core_axis_name="c", subcore_axis_name="s")
    rpw = (nb * S) // _NUM_WORKERS
    return pl.kernel(
        _make_sc_body(nb),
        out_type=jax.ShapeDtypeStruct((nb * S, D), jnp.float32),
        mesh=mesh,
        scratch_types=[
            pltpu.VMEM((rpw,), jnp.float32),
            pltpu.VMEM((2, 16), jnp.int32),
            pltpu.VMEM((8, D // 2), jnp.float32),
            pltpu.VMEM((8, D // 2), jnp.float32),
            pltpu.SemaphoreType.DMA,
            pltpu.SemaphoreType.DMA,
        ],
    )(chan_t, motion_table, hr_table)


_CK = 8


def _tc_bind_body(a_ref, k_ref, o_ref, hs, accs, tail):
    k = pl.program_id(0)

    for k_static in range(S // _CK):
        @pl.when(k == k_static)
        def _():
            r0 = k_static * _CK

            def row(i):
                if i >= r0:
                    return a_ref[i - r0]
                return tail[i - (r0 - 7)]

            if k_static == 0:
                H = None
                for j in range(N):
                    r = row(1 + j)
                    shift = N - 1 - j
                    if shift:
                        r = pltpu.roll(r, shift, axis=1)
                    H = r if H is None else H * r
                acc = H * k_ref[0:1]
                s_lo = 2
            else:
                H = hs[...]
                acc = accs[...]
                s_lo = r0 - 6
            s_hi = min(r0 + _CK - 6, W + 1)
            for s in range(s_lo, s_hi):
                H = pltpu.roll(H, 1, axis=1) \
                    * pltpu.roll(row(s - 1), N, axis=1) * row(s + N - 1)
                acc = acc + H * k_ref[s - 1:s]
            if k_static < S // _CK - 1:
                hs[...] = H
                accs[...] = acc
                tail[...] = a_ref[_CK - 7:]
            else:
                o_ref[...] = jnp.where(acc > 0, 1.0, -1.0).astype(jnp.float32)


@functools.partial(jax.jit, static_argnums=(2,))
def _tc_bind(gathered, keys, nb):
    g = gathered.reshape(S, nb, D)
    return pl.pallas_call(
        _tc_bind_body,
        grid=(S // _CK,),
        in_specs=[
            pl.BlockSpec((_CK, nb, D), lambda k: (k, 0, 0)),
            pl.BlockSpec((S, D), lambda k: (0, 0)),
        ],
        out_specs=pl.BlockSpec((nb, D), lambda k: (0, 0)),
        out_shape=jax.ShapeDtypeStruct((nb, D), jnp.float32),
        scratch_shapes=[
            pltpu.VMEM((nb, D), jnp.float32),
            pltpu.VMEM((nb, D), jnp.float32),
            pltpu.VMEM((7, nb, D), jnp.float32),
        ],
    )(g, keys)


def kernel(channels, keys, motion_table, hr_table):
    chan_t = channels[:, 0, :].T.reshape(B * S)
    g = _sc_gather(chan_t, motion_table, hr_table, B)
    return _tc_bind(g, keys, B)

# --- scband reference (transcript-rebuilt; emitter-appended) ---
"""Pipeline reference for scband-hdc-generic-encoder-90692529422509 (READ-ONLY COPY).

The authoritative reference and input builder live on the scoring server;
editing this copy changes nothing except your own understanding.
"""

import jax, jax.numpy as jnp
import numpy as np

INPUT_SIZE = 64
DIM = 8192
NGRAMS = 7
B, T = 16, 4

def _bipolar(key, shape):
    return jnp.where(jax.random.uniform(key, shape) < 0.5, -1.0, 1.0).astype(jnp.float32)

def _level_table(key, num, dim):
    k1, k2, k3 = jax.random.split(key, 3)
    v0 = _bipolar(k1, (dim,))
    v1 = _bipolar(k2, (dim,))
    t = jax.random.uniform(k3, (dim,))
    frac = jnp.arange(num, dtype=jnp.float32)[:, None] / float(num - 1)
    return jnp.where(frac > t[None, :], v1, v0).astype(jnp.float32)

def setup_inputs(seed: int = 0):
    key = jax.random.key(seed)
    k0, k1, k2, k3 = jax.random.split(key, 4)
    channels = jax.random.normal(k0, (B, T, INPUT_SIZE), dtype=jnp.float32)
    keys_w = _bipolar(k1, (INPUT_SIZE, DIM))
    motion_table = _level_table(k2, 3000, DIM)
    hr_table = _level_table(k3, 200, DIM)
    return {"channels": channels, "keys": keys_w, "motion_table": motion_table, "hr_table": hr_table}

def _level_lookup(x, table, low, high):
    num = table.shape[0]
    idx = jnp.clip(jnp.round((x - low) / (high - low) * (num - 1)), 0, num - 1).astype(jnp.int32)
    return jnp.take(table, idx, axis=0)

def reference(channels, keys, motion_table, hr_table):
    n = NGRAMS
    S = keys.shape[0]
    motion = channels[:, :, : S - 1]
    hr = channels[:, :, S - 1 : S]
    enc_motion = _level_lookup(motion, motion_table, -3.0, 3.0)
    enc_hr = _level_lookup(hr, hr_table, 50.0, 200.0)
    enc = jnp.concatenate([enc_motion, enc_hr], axis=2)  # [B, T, S, D]
    # torch loop uses only level[0] (first timestep) per batch element
    level0 = enc[:, 0]  # [B, S, D]
    starts = jnp.arange(1, S - n + 1)  # i = 1 .. S-n  (S-n windows)
    win = level0[:, starts[:, None] + jnp.arange(n)[None, :], :]  # [B, W, n, D]
    # functional.ngrams with window length == n: bind of permuted elements,
    # permute(x_j, shifts=n-1-j) == roll along hypervector dim; MAP bind == elementwise multiply
    rolled = [jnp.roll(win[:, :, j, :], n - 1 - j, axis=-1) for j in range(n)]
    b_levels = rolled[0]
    for j in range(1, n):
        b_levels = b_levels * rolled[j]  # [B, W, D]
    bound = keys[None, : S - n, :] * b_levels  # bind with id[:-ngram]
    multiset_b = jnp.sum(bound, axis=1)  # multiset over windows -> [B, D]
    hvs = multiset_b[:, None, :]  # stacked unsqueeze(0) per batch -> [B, 1, D]
    out = jnp.sum(hvs, axis=-2)  # multiset(hvs) -> [B, D]
    return jnp.where(out > 0, 1.0, -1.0).astype(jnp.float32)  # hard_quantize

if __name__ == "__main__":
    import jax
    _d = setup_inputs()
    print(jax.jit(kernel)(*tuple(_d.values())))

</pallas_src>

<mosaic_0001>
#map = affine_map<(d0, d1) -> (0)>
#map1 = affine_map<(d0, d1) -> (0, 0)>
module attributes {stable_mosaic.version = 14 : i64} {
  func.func @body(%arg0: i32, %arg1: i32, %arg2: memref<1024xf32, #tpu.memory_space<hbm>>, %arg3: memref<3000x8192xf32, #tpu.memory_space<hbm>>, %arg4: memref<200x8192xf32, #tpu.memory_space<hbm>>, %arg5: memref<1024x8192xf32, #tpu.memory_space<hbm>>, %arg6: memref<32xf32, #tpu.memory_space<vmem>>, %arg7: memref<2x16xi32, #tpu.memory_space<vmem>>, %arg8: memref<8x4096xf32, #tpu.memory_space<vmem>>, %arg9: memref<8x4096xf32, #tpu.memory_space<vmem>>, %arg10: memref<!tpu.dma_semaphore, #tpu.memory_space<semaphore_mem>>, %arg11: memref<!tpu.dma_semaphore, #tpu.memory_space<semaphore_mem>>) attributes {dimension_semantics = [#tpu.dimension_semantics<core_parallel>, #tpu.dimension_semantics<subcore_parallel>], iteration_bounds = array<i64: 2, 16>, scalar_prefetch = 0 : i64, scratch_operands = 6 : i64, tpu.core_type = #tpu.core_type<sc_vector_subcore>, window_params = [{transform_indices = #map}, {transform_indices = #map1}, {transform_indices = #map1}, {transform_indices = #map1}]} {
    %mul3A = arith.constant 2 : i32
    %mul3A_0 = arith.muli %arg1, %mul3A : i32
    %add3A = arith.addi %mul3A_0, %arg0 : i32
    %mul3A_1 = arith.constant 32 : i32
    %mul3A_2 = arith.muli %add3A, %mul3A_1 : i32
    %eq3A = arith.constant 31 : i32
    %eq3A_3 = arith.cmpi eq, %add3A, %eq3A : i32
    "tpu.region"() ({
      %run_scoped3A = tpu.sem_alloc : memref<!tpu.dma_semaphore, #tpu.memory_space<semaphore_mem>>
      %dma_start3A_230 = tpu.memref_slice %arg2[%mul3A_2] : memref<1024xf32, #tpu.memory_space<hbm>> -> memref<32xf32, #tpu.memory_space<hbm>>
      %dma_start3A_231 = tpu.memref_slice %arg2[%mul3A_2] : memref<1024xf32, #tpu.memory_space<hbm>> -> memref<32xf32, #tpu.memory_space<hbm>>
      tpu.enqueue_dma source(%dma_start3A_231 : memref<32xf32, #tpu.memory_space<hbm>>) target(%arg6 : memref<32xf32, #tpu.memory_space<vmem>>) target_semaphore(%run_scoped3A : memref<!tpu.dma_semaphore, #tpu.memory_space<semaphore_mem>>)
      %dma_wait3A_232 = tpu.memref_slice %arg2[%mul3A_2] : memref<1024xf32, #tpu.memory_space<hbm>> -> memref<32xf32, #tpu.memory_space<hbm>>
      %dma_wait3A_233 = tpu.memref_slice %arg2[%mul3A_2] : memref<1024xf32, #tpu.memory_space<hbm>> -> memref<32xf32, #tpu.memory_space<hbm>>
      tpu.wait_dma2 semaphore(%run_scoped3A : memref<!tpu.dma_semaphore, #tpu.memory_space<semaphore_mem>>) src(%dma_wait3A_233 : memref<32xf32, #tpu.memory_space<hbm>>) dst(%arg6 : memref<32xf32, #tpu.memory_space<vmem>>)
      tpu.yield
    }) : () -> ()
    %iota3A = tpu.iota {dimensions = array<i32: 0>} : vector<16xi32>
    %get3A = arith.constant 0 : index
    %get3A_4 = tpu.vector_load %arg6[%get3A] {strides = array<i32>} : memref<32xf32, #tpu.memory_space<vmem>>, vector<16xf32>,
    %get3A_5 = vector.shape_cast %get3A_4 : vector<16xf32> to vector<16xf32>
    %sub3A = arith.constant -3.000000e+00 : f32
    %sub3A_6 = vector.broadcast %sub3A : f32 to vector<16xf32>
    %sub3A_7 = arith.subf %get3A_5, %sub3A_6 : vector<16xf32>
    %div3A = arith.constant 6.000000e+00 : f32
    %div3A_8 = vector.broadcast %div3A : f32 to vector<16xf32>
    %div3A_9 = arith.divf %sub3A_7, %div3A_8 : vector<16xf32>
    %mul3A_10 = arith.constant 2.999000e+03 : f32
    %mul3A_11 = vector.broadcast %mul3A_10 : f32 to vector<16xf32>
    %mul3A_12 = arith.mulf %div3A_9, %mul3A_11 : vector<16xf32>
    %max3A = arith.constant 0.000000e+00 : f32
    %max3A_13 = vector.broadcast %max3A : f32 to vector<16xf32>
    %max3A_14 = arith.maximumf %mul3A_12, %max3A_13 : vector<16xf32>
    %min3A = arith.constant 2.999000e+03 : f32
    %min3A_15 = vector.broadcast %min3A : f32 to vector<16xf32>
    %min3A_16 = arith.minimumf %max3A_14, %min3A_15 : vector<16xf32>
    %convert_element_type3A = arith.fptosi %min3A_16 : vector<16xf32> to vector<16xi32>
    %convert_element_type3A_17 = arith.sitofp %convert_element_type3A : vector<16xi32> to vector<16xf32>
    %sub3A_18 = arith.subf %min3A_16, %convert_element_type3A_17 : vector<16xf32>
    %broadcast_in_dim3A = arith.constant 0 : i32
    %broadcast_in_dim3A_19 = vector.broadcast %broadcast_in_dim3A : i32 to vector<16xi32>
    %eq3A_20 = arith.constant 5.000000e-01 : f32
    %eq3A_21 = vector.broadcast %eq3A_20 : f32 to vector<16xf32>
    %eq3A_22 = arith.cmpf oeq, %sub3A_18, %eq3A_21 : vector<16xf32>
    %and3A = arith.constant 1 : i32
    %and3A_23 = vector.broadcast %and3A : i32 to vector<16xi32>
    %and3A_24 = arith.andi %convert_element_type3A, %and3A_23 : vector<16xi32>
    %select_n3A = arith.select %eq3A_22, %and3A_24, %broadcast_in_dim3A_19 : vector<16xi1>, vector<16xi32>
    %gt3A = arith.constant 5.000000e-01 : f32
    %gt3A_25 = vector.broadcast %gt3A : f32 to vector<16xf32>
    %gt3A_26 = arith.cmpf ogt, %sub3A_18, %gt3A_25 : vector<16xf32>
    %broadcast_in_dim3A_27 = arith.constant 1 : i32
    %broadcast_in_dim3A_28 = vector.broadcast %broadcast_in_dim3A_27 : i32 to vector<16xi32>
    %select_n3A_29 = arith.select %gt3A_26, %broadcast_in_dim3A_28, %select_n3A : vector<16xi1>, vector<16xi32>
    %add3A_30 = arith.addi %convert_element_type3A, %select_n3A_29 : vector<16xi32>
    %swap3A = arith.constant 0 : i32
    %swap3A_31 = arith.index_cast %swap3A : i32 to index
    %swap3A_32 = arith.constant 0 : index
    %swap3A_33 = tpu.vector_load %arg7[%swap3A_31, %swap3A_32] {strides = array<i32>} : memref<2x16xi32, #tpu.memory_space<vmem>>, vector<1x16xi32>,
    %swap3A_34 = vector.shape_cast %swap3A_33 : vector<1x16xi32> to vector<16xi32>
    %swap3A_35 = vector.shape_cast %add3A_30 : vector<16xi32> to vector<1x16xi32>
    tpu.vector_store %arg7[%swap3A_31, %swap3A_32], %swap3A_35 {strides = array<i32>} : memref<2x16xi32, #tpu.memory_space<vmem>>, vector<1x16xi32>,
    %get3A_36 = arith.constant 16 : index
    %get3A_37 = tpu.vector_load %arg6[%get3A_36] {strides = array<i32>} : memref<32xf32, #tpu.memory_space<vmem>>, vector<16xf32>,
    %get3A_38 = vector.shape_cast %get3A_37 : vector<16xf32> to vector<16xf32>
    %sub3A_39 = arith.constant -3.000000e+00 : f32
    %sub3A_40 = vector.broadcast %sub3A_39 : f32 to vector<16xf32>
    %sub3A_41 = arith.subf %get3A_38, %sub3A_40 : vector<16xf32>
    %div3A_42 = arith.constant 6.000000e+00 : f32
    %div3A_43 = vector.broadcast %div3A_42 : f32 to vector<16xf32>
    %div3A_44 = arith.divf %sub3A_41, %div3A_43 : vector<16xf32>
    %mul3A_45 = arith.constant 2.999000e+03 : f32
    %mul3A_46 = vector.broadcast %mul3A_45 : f32 to vector<16xf32>
    %mul3A_47 = arith.mulf %div3A_44, %mul3A_46 : vector<16xf32>
    %max3A_48 = arith.constant 0.000000e+00 : f32
    %max3A_49 = vector.broadcast %max3A_48 : f32 to vector<16xf32>
    %max3A_50 = arith.maximumf %mul3A_47, %max3A_49 : vector<16xf32>
    %min3A_51 = arith.constant 2.999000e+03 : f32
    %min3A_52 = vector.broadcast %min3A_51 : f32 to vector<16xf32>
    %min3A_53 = arith.minimumf %max3A_50, %min3A_52 : vector<16xf32>
    %convert_element_type3A_54 = arith.fptosi %min3A_53 : vector<16xf32> to vector<16xi32>
    %convert_element_type3A_55 = arith.sitofp %convert_element_type3A_54 : vector<16xi32> to vector<16xf32>
    %sub3A_56 = arith.subf %min3A_53, %convert_element_type3A_55 : vector<16xf32>
    %broadcast_in_dim3A_57 = arith.constant 0 : i32
    %broadcast_in_dim3A_58 = vector.broadcast %broadcast_in_dim3A_57 : i32 to vector<16xi32>
    %eq3A_59 = arith.constant 5.000000e-01 : f32
    %eq3A_60 = vector.broadcast %eq3A_59 : f32 to vector<16xf32>
    %eq3A_61 = arith.cmpf oeq, %sub3A_56, %eq3A_60 : vector<16xf32>
    %and3A_62 = arith.constant 1 : i32
    %and3A_63 = vector.broadcast %and3A_62 : i32 to vector<16xi32>
    %and3A_64 = arith.andi %convert_element_type3A_54, %and3A_63 : vector<16xi32>
    %select_n3A_65 = arith.select %eq3A_61, %and3A_64, %broadcast_in_dim3A_58 : vector<16xi1>, vector<16xi32>
    %gt3A_66 = arith.constant 5.000000e-01 : f32
    %gt3A_67 = vector.broadcast %gt3A_66 : f32 to vector<16xf32>
    %gt3A_68 = arith.cmpf ogt, %sub3A_56, %gt3A_67 : vector<16xf32>
    %broadcast_in_dim3A_69 = arith.constant 1 : i32
    %broadcast_in_dim3A_70 = vector.broadcast %broadcast_in_dim3A_69 : i32 to vector<16xi32>
    %select_n3A_71 = arith.select %gt3A_68, %broadcast_in_dim3A_70, %select_n3A_65 : vector<16xi1>, vector<16xi32>
    %add3A_72 = arith.addi %convert_element_type3A_54, %select_n3A_71 : vector<16xi32>
    %sub3A_73 = arith.constant 5.000000e+01 : f32
    %sub3A_74 = vector.broadcast %sub3A_73 : f32 to vector<16xf32>
    %sub3A_75 = arith.subf %get3A_38, %sub3A_74 : vector<16xf32>
    %div3A_76 = arith.constant 1.500000e+02 : f32
    %div3A_77 = vector.broadcast %div3A_76 : f32 to vector<16xf32>
    %div3A_78 = arith.divf %sub3A_75, %div3A_77 : vector<16xf32>
    %mul3A_79 = arith.constant 1.990000e+02 : f32
    %mul3A_80 = vector.broadcast %mul3A_79 : f32 to vector<16xf32>
    %mul3A_81 = arith.mulf %div3A_78, %mul3A_80 : vector<16xf32>
    %max3A_82 = arith.constant 0.000000e+00 : f32
    %max3A_83 = vector.broadcast %max3A_82 : f32 to vector<16xf32>
    %max3A_84 = arith.maximumf %mul3A_81, %max3A_83 : vector<16xf32>
    %min3A_85 = arith.constant 1.990000e+02 : f32
    %min3A_86 = vector.broadcast %min3A_85 : f32 to vector<16xf32>
    %min3A_87 = arith.minimumf %max3A_84, %min3A_86 : vector<16xf32>
    %convert_element_type3A_88 = arith.fptosi %min3A_87 : vector<16xf32> to vector<16xi32>
    %convert_element_type3A_89 = arith.sitofp %convert_element_type3A_88 : vector<16xi32> to vector<16xf32>
    %sub3A_90 = arith.subf %min3A_87, %convert_element_type3A_89 : vector<16xf32>
    %broadcast_in_dim3A_91 = arith.constant 0 : i32
    %broadcast_in_dim3A_92 = vector.broadcast %broadcast_in_dim3A_91 : i32 to vector<16xi32>
    %eq3A_93 = arith.constant 5.000000e-01 : f32
    %eq3A_94 = vector.broadcast %eq3A_93 : f32 to vector<16xf32>
    %eq3A_95 = arith.cmpf oeq, %sub3A_90, %eq3A_94 : vector<16xf32>
    %and3A_96 = arith.constant 1 : i32
    %and3A_97 = vector.broadcast %and3A_96 : i32 to vector<16xi32>
    %and3A_98 = arith.andi %convert_element_type3A_88, %and3A_97 : vector<16xi32>
    %select_n3A_99 = arith.select %eq3A_95, %and3A_98, %broadcast_in_dim3A_92 : vector<16xi1>, vector<16xi32>
    %gt3A_100 = arith.constant 5.000000e-01 : f32
    %gt3A_101 = vector.broadcast %gt3A_100 : f32 to vector<16xf32>
    %gt3A_102 = arith.cmpf ogt, %sub3A_90, %gt3A_101 : vector<16xf32>
    %broadcast_in_dim3A_103 = arith.constant 1 : i32
    %broadcast_in_dim3A_104 = vector.broadcast %broadcast_in_dim3A_103 : i32 to vector<16xi32>
    %select_n3A_105 = arith.select %gt3A_102, %broadcast_in_dim3A_104, %select_n3A_99 : vector<16xi1>, vector<16xi32>
    %add3A_106 = arith.addi %convert_element_type3A_88, %select_n3A_105 : vector<16xi32>
    %ge3A = arith.constant 0 : i32
    %ge3A_107 = vector.broadcast %ge3A : i32 to vector<16xi32>
    %ge3A_108 = arith.cmpi sge, %iota3A, %ge3A_107 : vector<16xi32>
    %select_n3A_109 = arith.select %ge3A_108, %add3A_106, %add3A_72 : vector<16xi1>, vector<16xi32>
    %convert_element_type3A_110 = arith.extui %eq3A_3 : i1 to i32
    %cond3A = arith.constant 0 : i32
    %cond3A_111 = arith.cmpi ne, %convert_element_type3A_110, %cond3A : i32
    scf.if %cond3A_111 {
      %swap3A_230 = arith.constant 1 : i32
      %swap3A_231 = arith.index_cast %swap3A_230 : i32 to index
      %swap3A_232 = arith.constant 0 : index
      %swap3A_233 = tpu.vector_load %arg7[%swap3A_231, %swap3A_232] {strides = array<i32>} : memref<2x16xi32, #tpu.memory_space<vmem>>, vector<1x16xi32>,
      %swap3A_234 = vector.shape_cast %swap3A_233 : vector<1x16xi32> to vector<16xi32>
      %swap3A_235 = vector.shape_cast %select_n3A_109 : vector<16xi32> to vector<1x16xi32>
      tpu.vector_store %arg7[%swap3A_231, %swap3A_232], %swap3A_235 {strides = array<i32>} : memref<2x16xi32, #tpu.memory_space<vmem>>, vector<1x16xi32>,
    } else {
    }
    %not3A = arith.constant true
    %not3A_112 = arith.xori %eq3A_3, %not3A : i1
    %convert_element_type3A_113 = arith.extui %not3A_112 : i1 to i32
    %cond3A_114 = arith.constant 0 : i32
    %cond3A_115 = arith.cmpi ne, %convert_element_type3A_113, %cond3A_114 : i32
    scf.if %cond3A_115 {
      %swap3A_230 = arith.constant 1 : i32
      %swap3A_231 = arith.index_cast %swap3A_230 : i32 to index
      %swap3A_232 = arith.constant 0 : index
      %swap3A_233 = tpu.vector_load %arg7[%swap3A_231, %swap3A_232] {strides = array<i32>} : memref<2x16xi32, #tpu.memory_space<vmem>>, vector<1x16xi32>,
      %swap3A_234 = vector.shape_cast %swap3A_233 : vector<1x16xi32> to vector<16xi32>
      %swap3A_235 = vector.shape_cast %add3A_72 : vector<16xi32> to vector<1x16xi32>
      tpu.vector_store %arg7[%swap3A_231, %swap3A_232], %swap3A_235 {strides = array<i32>} : memref<2x16xi32, #tpu.memory_space<vmem>>, vector<1x16xi32>,
    } else {
    }
    %dma_start3A = arith.constant 0 : i32
    %dma_start3A_116 = arith.constant 0 : i32
    %dma_start3A_117 = tpu.memref_slice %arg7[%dma_start3A, %dma_start3A_116] : memref<2x16xi32, #tpu.memory_space<vmem>> -> memref<1x8xi32, #tpu.memory_space<vmem>>
    %dma_start3A_118 = tpu.memref_squeeze %dma_start3A_117 : memref<1x8xi32, #tpu.memory_space<vmem>> -> memref<8xi32, #tpu.memory_space<vmem>>
    %dma_start3A_119 = arith.constant 0 : i32
    %dma_start3A_120 = arith.constant 0 : i32
    %dma_start3A_121 = tpu.memref_slice %arg3[%dma_start3A_119, %dma_start3A_120] : memref<3000x8192xf32, #tpu.memory_space<hbm>> -> memref<3000x4096xf32, #tpu.memory_space<hbm>>
    tpu.enqueue_indirect_dma source(%dma_start3A_121 : memref<3000x4096xf32, #tpu.memory_space<hbm>>) target(%arg8 : memref<8x4096xf32, #tpu.memory_space<vmem>>) offsets(%dma_start3A_118 : memref<8xi32, #tpu.memory_space<vmem>>) semaphore(%arg10 : memref<!tpu.dma_semaphore, #tpu.memory_space<semaphore_mem>>)
    %dma_wait3A = arith.constant 0 : i32
    %dma_wait3A_122 = tpu.memref_slice %arg5[%mul3A_2, %dma_wait3A] : memref<1024x8192xf32, #tpu.memory_space<hbm>> -> memref<8x4096xf32, #tpu.memory_space<hbm>>
    %dma_wait3A_123 = arith.constant 0 : i32
    %dma_wait3A_124 = tpu.memref_slice %arg5[%mul3A_2, %dma_wait3A_123] : memref<1024x8192xf32, #tpu.memory_space<hbm>> -> memref<8x4096xf32, #tpu.memory_space<hbm>>
    tpu.wait_dma2 semaphore(%arg10 : memref<!tpu.dma_semaphore, #tpu.memory_space<semaphore_mem>>) src(%dma_wait3A_124 : memref<8x4096xf32, #tpu.memory_space<hbm>>) dst(%arg8 : memref<8x4096xf32, #tpu.memory_space<vmem>>)
    %dma_start3A_125 = arith.constant 0 : i32
    %dma_start3A_126 = arith.constant 0 : i32
    %dma_start3A_127 = tpu.memref_slice %arg7[%dma_start3A_125, %dma_start3A_126] : memref<2x16xi32, #tpu.memory_space<vmem>> -> memref<1x8xi32, #tpu.memory_space<vmem>>
    %dma_start3A_128 = tpu.memref_squeeze %dma_start3A_127 : memref<1x8xi32, #tpu.memory_space<vmem>> -> memref<8xi32, #tpu.memory_space<vmem>>
    %dma_start3A_129 = arith.constant 0 : i32
    %dma_start3A_130 = arith.constant 4096 : i32
    %dma_start3A_131 = tpu.memref_slice %arg3[%dma_start3A_129, %dma_start3A_130] : memref<3000x8192xf32, #tpu.memory_space<hbm>> -> memref<3000x4096xf32, #tpu.memory_space<hbm>>
    tpu.enqueue_indirect_dma source(%dma_start3A_131 : memref<3000x4096xf32, #tpu.memory_space<hbm>>) target(%arg9 : memref<8x4096xf32, #tpu.memory_space<vmem>>) offsets(%dma_start3A_128 : memref<8xi32, #tpu.memory_space<vmem>>) semaphore(%arg11 : memref<!tpu.dma_semaphore, #tpu.memory_space<semaphore_mem>>)
    %add3A_132 = arith.constant 0 : i32
    %add3A_133 = arith.addi %mul3A_2, %add3A_132 : i32
    "tpu.region"() ({
      %run_scoped3A = tpu.sem_alloc : memref<!tpu.dma_semaphore, #tpu.memory_space<semaphore_mem>>
      %dma_start3A_230 = arith.constant 0 : i32
      %dma_start3A_231 = tpu.memref_slice %arg5[%add3A_133, %dma_start3A_230] : memref<1024x8192xf32, #tpu.memory_space<hbm>> -> memref<8x4096xf32, #tpu.memory_space<hbm>>
      %dma_start3A_232 = arith.constant 0 : i32
      %dma_start3A_233 = tpu.memref_slice %arg5[%add3A_133, %dma_start3A_232] : memref<1024x8192xf32, #tpu.memory_space<hbm>> -> memref<8x4096xf32, #tpu.memory_space<hbm>>
      tpu.enqueue_dma source(%arg8 : memref<8x4096xf32, #tpu.memory_space<vmem>>) target(%dma_start3A_233 : memref<8x4096xf32, #tpu.memory_space<hbm>>) target_semaphore(%run_scoped3A : memref<!tpu.dma_semaphore, #tpu.memory_space<semaphore_mem>>)
      %dma_wait3A_234 = arith.constant 0 : i32
      %dma_wait3A_235 = tpu.memref_slice %arg5[%add3A_133, %dma_wait3A_234] : memref<1024x8192xf32, #tpu.memory_space<hbm>> -> memref<8x4096xf32, #tpu.memory_space<hbm>>
      %dma_wait3A_236 = arith.constant 0 : i32
      %dma_wait3A_237 = tpu.memref_slice %arg5[%add3A_133, %dma_wait3A_236] : memref<1024x8192xf32, #tpu.memory_space<hbm>> -> memref<8x4096xf32, #tpu.memory_space<hbm>>
      tpu.wait_dma2 semaphore(%run_scoped3A : memref<!tpu.dma_semaphore, #tpu.memory_space<semaphore_mem>>) src(%arg8 : memref<8x4096xf32, #tpu.memory_space<vmem>>) dst(%dma_wait3A_237 : memref<8x4096xf32, #tpu.memory_space<hbm>>)
      tpu.yield
    }) : () -> ()
    %dma_wait3A_134 = arith.constant 0 : i32
    %dma_wait3A_135 = tpu.memref_slice %arg5[%mul3A_2, %dma_wait3A_134] : memref<1024x8192xf32, #tpu.memory_space<hbm>> -> memref<8x4096xf32, #tpu.memory_space<hbm>>
    %dma_wait3A_136 = arith.constant 0 : i32
    %dma_wait3A_137 = tpu.memref_slice %arg5[%mul3A_2, %dma_wait3A_136] : memref<1024x8192xf32, #tpu.memory_space<hbm>> -> memref<8x4096xf32, #tpu.memory_space<hbm>>
    tpu.wait_dma2 semaphore(%arg11 : memref<!tpu.dma_semaphore, #tpu.memory_space<semaphore_mem>>) src(%dma_wait3A_137 : memref<8x4096xf32, #tpu.memory_space<hbm>>) dst(%arg9 : memref<8x4096xf32, #tpu.memory_space<vmem>>)
    %dma_start3A_138 = arith.constant 0 : i32
    %dma_start3A_139 = arith.constant 8 : i32
    %dma_start3A_140 = tpu.memref_slice %arg7[%dma_start3A_138, %dma_start3A_139] : memref<2x16xi32, #tpu.memory_space<vmem>> -> memref<1x8xi32, #tpu.memory_space<vmem>>
    %dma_start3A_141 = tpu.memref_squeeze %dma_start3A_140 : memref<1x8xi32, #tpu.memory_space<vmem>> -> memref<8xi32, #tpu.memory_space<vmem>>
    %dma_start3A_142 = arith.constant 0 : i32
    %dma_start3A_143 = arith.constant 0 : i32
    %dma_start3A_144 = tpu.memref_slice %arg3[%dma_start3A_142, %dma_start3A_143] : memref<3000x8192xf32, #tpu.memory_space<hbm>> -> memref<3000x4096xf32, #tpu.memory_space<hbm>>
    tpu.enqueue_indirect_dma source(%dma_start3A_144 : memref<3000x4096xf32, #tpu.memory_space<hbm>>) target(%arg8 : memref<8x4096xf32, #tpu.memory_space<vmem>>) offsets(%dma_start3A_141 : memref<8xi32, #tpu.memory_space<vmem>>) semaphore(%arg10 : memref<!tpu.dma_semaphore, #tpu.memory_space<semaphore_mem>>)
    %add3A_145 = arith.constant 0 : i32
    %add3A_146 = arith.addi %mul3A_2, %add3A_145 : i32
    "tpu.region"() ({
      %run_scoped3A = tpu.sem_alloc : memref<!tpu.dma_semaphore, #tpu.memory_space<semaphore_mem>>
      %dma_start3A_230 = arith.constant 4096 : i32
      %dma_start3A_231 = tpu.memref_slice %arg5[%add3A_146, %dma_start3A_230] : memref<1024x8192xf32, #tpu.memory_space<hbm>> -> memref<8x4096xf32, #tpu.memory_space<hbm>>
      %dma_start3A_232 = arith.constant 4096 : i32
      %dma_start3A_233 = tpu.memref_slice %arg5[%add3A_146, %dma_start3A_232] : memref<1024x8192xf32, #tpu.memory_space<hbm>> -> memref<8x4096xf32, #tpu.memory_space<hbm>>
      tpu.enqueue_dma source(%arg9 : memref<8x4096xf32, #tpu.memory_space<vmem>>) target(%dma_start3A_233 : memref<8x4096xf32, #tpu.memory_space<hbm>>) target_semaphore(%run_scoped3A : memref<!tpu.dma_semaphore, #tpu.memory_space<semaphore_mem>>)
      %dma_wait3A_234 = arith.constant 4096 : i32
      %dma_wait3A_235 = tpu.memref_slice %arg5[%add3A_146, %dma_wait3A_234] : memref<1024x8192xf32, #tpu.memory_space<hbm>> -> memref<8x4096xf32, #tpu.memory_space<hbm>>
      %dma_wait3A_236 = arith.constant 4096 : i32
      %dma_wait3A_237 = tpu.memref_slice %arg5[%add3A_146, %dma_wait3A_236] : memref<1024x8192xf32, #tpu.memory_space<hbm>> -> memref<8x4096xf32, #tpu.memory_space<hbm>>
      tpu.wait_dma2 semaphore(%run_scoped3A : memref<!tpu.dma_semaphore, #tpu.memory_space<semaphore_mem>>) src(%arg9 : memref<8x4096xf32, #tpu.memory_space<vmem>>) dst(%dma_wait3A_237 : memref<8x4096xf32, #tpu.memory_space<hbm>>)
      tpu.yield
    }) : () -> ()
    %dma_wait3A_147 = arith.constant 0 : i32
    %dma_wait3A_148 = tpu.memref_slice %arg5[%mul3A_2, %dma_wait3A_147] : memref<1024x8192xf32, #tpu.memory_space<hbm>> -> memref<8x4096xf32, #tpu.memory_space<hbm>>
    %dma_wait3A_149 = arith.constant 0 : i32
    %dma_wait3A_150 = tpu.memref_slice %arg5[%mul3A_2, %dma_wait3A_149] : memref<1024x8192xf32, #tpu.memory_space<hbm>> -> memref<8x4096xf32, #tpu.memory_space<hbm>>
    tpu.wait_dma2 semaphore(%arg10 : memref<!tpu.dma_semaphore, #tpu.memory_space<semaphore_mem>>) src(%dma_wait3A_150 : memref<8x4096xf32, #tpu.memory_space<hbm>>) dst(%arg8 : memref<8x4096xf32, #tpu.memory_space<vmem>>)
    %dma_start3A_151 = arith.constant 0 : i32
    %dma_start3A_152 = arith.constant 8 : i32
    %dma_start3A_153 = tpu.memref_slice %arg7[%dma_start3A_151, %dma_start3A_152] : memref<2x16xi32, #tpu.memory_space<vmem>> -> memref<1x8xi32, #tpu.memory_space<vmem>>
    %dma_start3A_154 = tpu.memref_squeeze %dma_start3A_153 : memref<1x8xi32, #tpu.memory_space<vmem>> -> memref<8xi32, #tpu.memory_space<vmem>>
    %dma_start3A_155 = arith.constant 0 : i32
    %dma_start3A_156 = arith.constant 4096 : i32
    %dma_start3A_157 = tpu.memref_slice %arg3[%dma_start3A_155, %dma_start3A_156] : memref<3000x8192xf32, #tpu.memory_space<hbm>> -> memref<3000x4096xf32, #tpu.memory_space<hbm>>
    tpu.enqueue_indirect_dma source(%dma_start3A_157 : memref<3000x4096xf32, #tpu.memory_space<hbm>>) target(%arg9 : memref<8x4096xf32, #tpu.memory_space<vmem>>) offsets(%dma_start3A_154 : memref<8xi32, #tpu.memory_space<vmem>>) semaphore(%arg11 : memref<!tpu.dma_semaphore, #tpu.memory_space<semaphore_mem>>)
    %add3A_158 = arith.constant 8 : i32
    %add3A_159 = arith.addi %mul3A_2, %add3A_158 : i32
    "tpu.region"() ({
      %run_scoped3A = tpu.sem_alloc : memref<!tpu.dma_semaphore, #tpu.memory_space<semaphore_mem>>
      %dma_start3A_230 = arith.constant 0 : i32
      %dma_start3A_231 = tpu.memref_slice %arg5[%add3A_159, %dma_start3A_230] : memref<1024x8192xf32, #tpu.memory_space<hbm>> -> memref<8x4096xf32, #tpu.memory_space<hbm>>
      %dma_start3A_232 = arith.constant 0 : i32
      %dma_start3A_233 = tpu.memref_slice %arg5[%add3A_159, %dma_start3A_232] : memref<1024x8192xf32, #tpu.memory_space<hbm>> -> memref<8x4096xf32, #tpu.memory_space<hbm>>
      tpu.enqueue_dma source(%arg8 : memref<8x4096xf32, #tpu.memory_space<vmem>>) target(%dma_start3A_233 : memref<8x4096xf32, #tpu.memory_space<hbm>>) target_semaphore(%run_scoped3A : memref<!tpu.dma_semaphore, #tpu.memory_space<semaphore_mem>>)
      %dma_wait3A_234 = arith.constant 0 : i32
      %dma_wait3A_235 = tpu.memref_slice %arg5[%add3A_159, %dma_wait3A_234] : memref<1024x8192xf32, #tpu.memory_space<hbm>> -> memref<8x4096xf32, #tpu.memory_space<hbm>>
      %dma_wait3A_236 = arith.constant 0 : i32
      %dma_wait3A_237 = tpu.memref_slice %arg5[%add3A_159, %dma_wait3A_236] : memref<1024x8192xf32, #tpu.memory_space<hbm>> -> memref<8x4096xf32, #tpu.memory_space<hbm>>
      tpu.wait_dma2 semaphore(%run_scoped3A : memref<!tpu.dma_semaphore, #tpu.memory_space<semaphore_mem>>) src(%arg8 : memref<8x4096xf32, #tpu.memory_space<vmem>>) dst(%dma_wait3A_237 : memref<8x4096xf32, #tpu.memory_space<hbm>>)
      tpu.yield
    }) : () -> ()
    %dma_wait3A_160 = arith.constant 0 : i32
    %dma_wait3A_161 = tpu.memref_slice %arg5[%mul3A_2, %dma_wait3A_160] : memref<1024x8192xf32, #tpu.memory_space<hbm>> -> memref<8x4096xf32, #tpu.memory_space<hbm>>
    %dma_wait3A_162 = arith.constant 0 : i32
    %dma_wait3A_163 = tpu.memref_slice %arg5[%mul3A_2, %dma_wait3A_162] : memref<1024x8192xf32, #tpu.memory_space<hbm>> -> memref<8x4096xf32, #tpu.memory_space<hbm>>
    tpu.wait_dma2 semaphore(%arg11 : memref<!tpu.dma_semaphore, #tpu.memory_space<semaphore_mem>>) src(%dma_wait3A_163 : memref<8x4096xf32, #tpu.memory_space<hbm>>) dst(%arg9 : memref<8x4096xf32, #tpu.memory_space<vmem>>)
    %convert_element_type3A_164 = arith.extui %eq3A_3 : i1 to i32
    %cond3A_165 = arith.constant 1 : i32
    %cond3A_166 = arith.constant 0 : i32
    %cond3A_167 = arith.cmpi ne, %convert_element_type3A_164, %cond3A_166 : i32
    scf.if %cond3A_167 {
      %dma_start3A_230 = arith.constant 0 : i32
      %dma_start3A_231 = tpu.memref_slice %arg7[%cond3A_165, %dma_start3A_230] : memref<2x16xi32, #tpu.memory_space<vmem>> -> memref<1x8xi32, #tpu.memory_space<vmem>>
      %dma_start3A_232 = tpu.memref_squeeze %dma_start3A_231 : memref<1x8xi32, #tpu.memory_space<vmem>> -> memref<8xi32, #tpu.memory_space<vmem>>
      %dma_start3A_233 = arith.constant 0 : i32
      %dma_start3A_234 = arith.constant 0 : i32
      %dma_start3A_235 = tpu.memref_slice %arg4[%dma_start3A_233, %dma_start3A_234] : memref<200x8192xf32, #tpu.memory_space<hbm>> -> memref<200x4096xf32, #tpu.memory_space<hbm>>
      tpu.enqueue_indirect_dma source(%dma_start3A_235 : memref<200x4096xf32, #tpu.memory_space<hbm>>) target(%arg8 : memref<8x4096xf32, #tpu.memory_space<vmem>>) offsets(%dma_start3A_232 : memref<8xi32, #tpu.memory_space<vmem>>) semaphore(%arg10 : memref<!tpu.dma_semaphore, #tpu.memory_space<semaphore_mem>>)
    } else {
    }
    %not3A_168 = arith.constant true
    %not3A_169 = arith.xori %eq3A_3, %not3A_168 : i1
    %convert_element_type3A_170 = arith.extui %not3A_169 : i1 to i32
    %cond3A_171 = arith.constant 1 : i32
    %cond3A_172 = arith.constant 0 : i32
    %cond3A_173 = arith.cmpi ne, %convert_element_type3A_170, %cond3A_172 : i32
    scf.if %cond3A_173 {
      %dma_start3A_230 = arith.constant 0 : i32
      %dma_start3A_231 = tpu.memref_slice %arg7[%cond3A_171, %dma_start3A_230] : memref<2x16xi32, #tpu.memory_space<vmem>> -> memref<1x8xi32, #tpu.memory_space<vmem>>
      %dma_start3A_232 = tpu.memref_squeeze %dma_start3A_231 : memref<1x8xi32, #tpu.memory_space<vmem>> -> memref<8xi32, #tpu.memory_space<vmem>>
      %dma_start3A_233 = arith.constant 0 : i32
      %dma_start3A_234 = arith.constant 0 : i32
      %dma_start3A_235 = tpu.memref_slice %arg3[%dma_start3A_233, %dma_start3A_234] : memref<3000x8192xf32, #tpu.memory_space<hbm>> -> memref<3000x4096xf32, #tpu.memory_space<hbm>>
      tpu.enqueue_indirect_dma source(%dma_start3A_235 : memref<3000x4096xf32, #tpu.memory_space<hbm>>) target(%arg8 : memref<8x4096xf32, #tpu.memory_space<vmem>>) offsets(%dma_start3A_232 : memref<8xi32, #tpu.memory_space<vmem>>) semaphore(%arg10 : memref<!tpu.dma_semaphore, #tpu.memory_space<semaphore_mem>>)
    } else {
    }
    %add3A_174 = arith.constant 8 : i32
    %add3A_175 = arith.addi %mul3A_2, %add3A_174 : i32
    "tpu.region"() ({
      %run_scoped3A = tpu.sem_alloc : memref<!tpu.dma_semaphore, #tpu.memory_space<semaphore_mem>>
      %dma_start3A_230 = arith.constant 4096 : i32
      %dma_start3A_231 = tpu.memref_slice %arg5[%add3A_175, %dma_start3A_230] : memref<1024x8192xf32, #tpu.memory_space<hbm>> -> memref<8x4096xf32, #tpu.memory_space<hbm>>
      %dma_start3A_232 = arith.constant 4096 : i32
      %dma_start3A_233 = tpu.memref_slice %arg5[%add3A_175, %dma_start3A_232] : memref<1024x8192xf32, #tpu.memory_space<hbm>> -> memref<8x4096xf32, #tpu.memory_space<hbm>>
      tpu.enqueue_dma source(%arg9 : memref<8x4096xf32, #tpu.memory_space<vmem>>) target(%dma_start3A_233 : memref<8x4096xf32, #tpu.memory_space<hbm>>) target_semaphore(%run_scoped3A : memref<!tpu.dma_semaphore, #tpu.memory_space<semaphore_mem>>)
      %dma_wait3A_234 = arith.constant 4096 : i32
      %dma_wait3A_235 = tpu.memref_slice %arg5[%add3A_175, %dma_wait3A_234] : memref<1024x8192xf32, #tpu.memory_space<hbm>> -> memref<8x4096xf32, #tpu.memory_space<hbm>>
      %dma_wait3A_236 = arith.constant 4096 : i32
      %dma_wait3A_237 = tpu.memref_slice %arg5[%add3A_175, %dma_wait3A_236] : memref<1024x8192xf32, #tpu.memory_space<hbm>> -> memref<8x4096xf32, #tpu.memory_space<hbm>>
      tpu.wait_dma2 semaphore(%run_scoped3A : memref<!tpu.dma_semaphore, #tpu.memory_space<semaphore_mem>>) src(%arg9 : memref<8x4096xf32, #tpu.memory_space<vmem>>) dst(%dma_wait3A_237 : memref<8x4096xf32, #tpu.memory_space<hbm>>)
      tpu.yield
    }) : () -> ()
    %dma_wait3A_176 = arith.constant 0 : i32
    %dma_wait3A_177 = tpu.memref_slice %arg5[%mul3A_2, %dma_wait3A_176] : memref<1024x8192xf32, #tpu.memory_space<hbm>> -> memref<8x4096xf32, #tpu.memory_space<hbm>>
    %dma_wait3A_178 = arith.constant 0 : i32
    %dma_wait3A_179 = tpu.memref_slice %arg5[%mul3A_2, %dma_wait3A_178] : memref<1024x8192xf32, #tpu.memory_space<hbm>> -> memref<8x4096xf32, #tpu.memory_space<hbm>>
    tpu.wait_dma2 semaphore(%arg10 : memref<!tpu.dma_semaphore, #tpu.memory_space<semaphore_mem>>) src(%dma_wait3A_179 : memref<8x4096xf32, #tpu.memory_space<hbm>>) dst(%arg8 : memref<8x4096xf32, #tpu.memory_space<vmem>>)
    %convert_element_type3A_180 = arith.extui %eq3A_3 : i1 to i32
    %cond3A_181 = arith.constant 1 : i32
    %cond3A_182 = arith.constant 0 : i32
    %cond3A_183 = arith.cmpi ne, %convert_element_type3A_180, %cond3A_182 : i32
    scf.if %cond3A_183 {
      %dma_start3A_230 = arith.constant 0 : i32
      %dma_start3A_231 = tpu.memref_slice %arg7[%cond3A_181, %dma_start3A_230] : memref<2x16xi32, #tpu.memory_space<vmem>> -> memref<1x8xi32, #tpu.memory_space<vmem>>
      %dma_start3A_232 = tpu.memref_squeeze %dma_start3A_231 : memref<1x8xi32, #tpu.memory_space<vmem>> -> memref<8xi32, #tpu.memory_space<vmem>>
      %dma_start3A_233 = arith.constant 0 : i32
      %dma_start3A_234 = arith.constant 4096 : i32
      %dma_start3A_235 = tpu.memref_slice %arg4[%dma_start3A_233, %dma_start3A_234] : memref<200x8192xf32, #tpu.memory_space<hbm>> -> memref<200x4096xf32, #tpu.memory_space<hbm>>
      tpu.enqueue_indirect_dma source(%dma_start3A_235 : memref<200x4096xf32, #tpu.memory_space<hbm>>) target(%arg9 : memref<8x4096xf32, #tpu.memory_space<vmem>>) offsets(%dma_start3A_232 : memref<8xi32, #tpu.memory_space<vmem>>) semaphore(%arg11 : memref<!tpu.dma_semaphore, #tpu.memory_space<semaphore_mem>>)
    } else {
    }
    %not3A_184 = arith.constant true
    %not3A_185 = arith.xori %eq3A_3, %not3A_184 : i1
    %convert_element_type3A_186 = arith.extui %not3A_185 : i1 to i32
    %cond3A_187 = arith.constant 1 : i32
    %cond3A_188 = arith.constant 0 : i32
    %cond3A_189 = arith.cmpi ne, %convert_element_type3A_186, %cond3A_188 : i32
    scf.if %cond3A_189 {
      %dma_start3A_230 = arith.constant 0 : i32
      %dma_start3A_231 = tpu.memref_slice %arg7[%cond3A_187, %dma_start3A_230] : memref<2x16xi32, #tpu.memory_space<vmem>> -> memref<1x8xi32, #tpu.memory_space<vmem>>
      %dma_start3A_232 = tpu.memref_squeeze %dma_start3A_231 : memref<1x8xi32, #tpu.memory_space<vmem>> -> memref<8xi32, #tpu.memory_space<vmem>>
      %dma_start3A_233 = arith.constant 0 : i32
      %dma_start3A_234 = arith.constant 4096 : i32
      %dma_start3A_235 = tpu.memref_slice %arg3[%dma_start3A_233, %dma_start3A_234] : memref<3000x8192xf32, #tpu.memory_space<hbm>> -> memref<3000x4096xf32, #tpu.memory_space<hbm>>
      tpu.enqueue_indirect_dma source(%dma_start3A_235 : memref<3000x4096xf32, #tpu.memory_space<hbm>>) target(%arg9 : memref<8x4096xf32, #tpu.memory_space<vmem>>) offsets(%dma_start3A_232 : memref<8xi32, #tpu.memory_space<vmem>>) semaphore(%arg11 : memref<!tpu.dma_semaphore, #tpu.memory_space<semaphore_mem>>)
    } else {
    }
    %add3A_190 = arith.constant 16 : i32
    %add3A_191 = arith.addi %mul3A_2, %add3A_190 : i32
    "tpu.region"() ({
      %run_scoped3A = tpu.sem_alloc : memref<!tpu.dma_semaphore, #tpu.memory_space<semaphore_mem>>
      %dma_start3A_230 = arith.constant 0 : i32
      %dma_start3A_231 = tpu.memref_slice %arg5[%add3A_191, %dma_start3A_230] : memref<1024x8192xf32, #tpu.memory_space<hbm>> -> memref<8x4096xf32, #tpu.memory_space<hbm>>
      %dma_start3A_232 = arith.constant 0 : i32
      %dma_start3A_233 = tpu.memref_slice %arg5[%add3A_191, %dma_start3A_232] : memref<1024x8192xf32, #tpu.memory_space<hbm>> -> memref<8x4096xf32, #tpu.memory_space<hbm>>
      tpu.enqueue_dma source(%arg8 : memref<8x4096xf32, #tpu.memory_space<vmem>>) target(%dma_start3A_233 : memref<8x4096xf32, #tpu.memory_space<hbm>>) target_semaphore(%run_scoped3A : memref<!tpu.dma_semaphore, #tpu.memory_space<semaphore_mem>>)
      %dma_wait3A_234 = arith.constant 0 : i32
      %dma_wait3A_235 = tpu.memref_slice %arg5[%add3A_191, %dma_wait3A_234] : memref<1024x8192xf32, #tpu.memory_space<hbm>> -> memref<8x4096xf32, #tpu.memory_space<hbm>>
      %dma_wait3A_236 = arith.constant 0 : i32
      %dma_wait3A_237 = tpu.memref_slice %arg5[%add3A_191, %dma_wait3A_236] : memref<1024x8192xf32, #tpu.memory_space<hbm>> -> memref<8x4096xf32, #tpu.memory_space<hbm>>
      tpu.wait_dma2 semaphore(%run_scoped3A : memref<!tpu.dma_semaphore, #tpu.memory_space<semaphore_mem>>) src(%arg8 : memref<8x4096xf32, #tpu.memory_space<vmem>>) dst(%dma_wait3A_237 : memref<8x4096xf32, #tpu.memory_space<hbm>>)
      tpu.yield
    }) : () -> ()
    %dma_wait3A_192 = arith.constant 0 : i32
    %dma_wait3A_193 = tpu.memref_slice %arg5[%mul3A_2, %dma_wait3A_192] : memref<1024x8192xf32, #tpu.memory_space<hbm>> -> memref<8x4096xf32, #tpu.memory_space<hbm>>
    %dma_wait3A_194 = arith.constant 0 : i32
    %dma_wait3A_195 = tpu.memref_slice %arg5[%mul3A_2, %dma_wait3A_194] : memref<1024x8192xf32, #tpu.memory_space<hbm>> -> memref<8x4096xf32, #tpu.memory_space<hbm>>
    tpu.wait_dma2 semaphore(%arg11 : memref<!tpu.dma_semaphore, #tpu.memory_space<semaphore_mem>>) src(%dma_wait3A_195 : memref<8x4096xf32, #tpu.memory_space<hbm>>) dst(%arg9 : memref<8x4096xf32, #tpu.memory_space<vmem>>)
    %convert_element_type3A_196 = arith.extui %eq3A_3 : i1 to i32
    %cond3A_197 = arith.constant 1 : i32
    %cond3A_198 = arith.constant 0 : i32
    %cond3A_199 = arith.cmpi ne, %convert_element_type3A_196, %cond3A_198 : i32
    scf.if %cond3A_199 {
      %dma_start3A_230 = arith.constant 8 : i32
      %dma_start3A_231 = tpu.memref_slice %arg7[%cond3A_197, %dma_start3A_230] : memref<2x16xi32, #tpu.memory_space<vmem>> -> memref<1x8xi32, #tpu.memory_space<vmem>>
      %dma_start3A_232 = tpu.memref_squeeze %dma_start3A_231 : memref<1x8xi32, #tpu.memory_space<vmem>> -> memref<8xi32, #tpu.memory_space<vmem>>
      %dma_start3A_233 = arith.constant 0 : i32
      %dma_start3A_234 = arith.constant 0 : i32
      %dma_start3A_235 = tpu.memref_slice %arg4[%dma_start3A_233, %dma_start3A_234] : memref<200x8192xf32, #tpu.memory_space<hbm>> -> memref<200x4096xf32, #tpu.memory_space<hbm>>
      tpu.enqueue_indirect_dma source(%dma_start3A_235 : memref<200x4096xf32, #tpu.memory_space<hbm>>) target(%arg8 : memref<8x4096xf32, #tpu.memory_space<vmem>>) offsets(%dma_start3A_232 : memref<8xi32, #tpu.memory_space<vmem>>) semaphore(%arg10 : memref<!tpu.dma_semaphore, #tpu.memory_space<semaphore_mem>>)
    } else {
    }
    %not3A_200 = arith.constant true
    %not3A_201 = arith.xori %eq3A_3, %not3A_200 : i1
    %convert_element_type3A_202 = arith.extui %not3A_201 : i1 to i32
    %cond3A_203 = arith.constant 1 : i32
    %cond3A_204 = arith.constant 0 : i32
    %cond3A_205 = arith.cmpi ne, %convert_element_type3A_202, %cond3A_204 : i32
    scf.if %cond3A_205 {
      %dma_start3A_230 = arith.constant 8 : i32
      %dma_start3A_231 = tpu.memref_slice %arg7[%cond3A_203, %dma_start3A_230] : memref<2x16xi32, #tpu.memory_space<vmem>> -> memref<1x8xi32, #tpu.memory_space<vmem>>
      %dma_start3A_232 = tpu.memref_squeeze %dma_start3A_231 : memref<1x8xi32, #tpu.memory_space<vmem>> -> memref<8xi32, #tpu.memory_space<vmem>>
      %dma_start3A_233 = arith.constant 0 : i32
      %dma_start3A_234 = arith.constant 0 : i32
      %dma_start3A_235 = tpu.memref_slice %arg3[%dma_start3A_233, %dma_start3A_234] : memref<3000x8192xf32, #tpu.memory_space<hbm>> -> memref<3000x4096xf32, #tpu.memory_space<hbm>>
      tpu.enqueue_indirect_dma source(%dma_start3A_235 : memref<3000x4096xf32, #tpu.memory_space<hbm>>) target(%arg8 : memref<8x4096xf32, #tpu.memory_space<vmem>>) offsets(%dma_start3A_232 : memref<8xi32, #tpu.memory_space<vmem>>) semaphore(%arg10 : memref<!tpu.dma_semaphore, #tpu.memory_space<semaphore_mem>>)
    } else {
    }
    %add3A_206 = arith.constant 16 : i32
    %add3A_207 = arith.addi %mul3A_2, %add3A_206 : i32
    "tpu.region"() ({
      %run_scoped3A = tpu.sem_alloc : memref<!tpu.dma_semaphore, #tpu.memory_space<semaphore_mem>>
      %dma_start3A_230 = arith.constant 4096 : i32
      %dma_start3A_231 = tpu.memref_slice %arg5[%add3A_207, %dma_start3A_230] : memref<1024x8192xf32, #tpu.memory_space<hbm>> -> memref<8x4096xf32, #tpu.memory_space<hbm>>
      %dma_start3A_232 = arith.constant 4096 : i32
      %dma_start3A_233 = tpu.memref_slice %arg5[%add3A_207, %dma_start3A_232] : memref<1024x8192xf32, #tpu.memory_space<hbm>> -> memref<8x4096xf32, #tpu.memory_space<hbm>>
      tpu.enqueue_dma source(%arg9 : memref<8x4096xf32, #tpu.memory_space<vmem>>) target(%dma_start3A_233 : memref<8x4096xf32, #tpu.memory_space<hbm>>) target_semaphore(%run_scoped3A : memref<!tpu.dma_semaphore, #tpu.memory_space<semaphore_mem>>)
      %dma_wait3A_234 = arith.constant 4096 : i32
      %dma_wait3A_235 = tpu.memref_slice %arg5[%add3A_207, %dma_wait3A_234] : memref<1024x8192xf32, #tpu.memory_space<hbm>> -> memref<8x4096xf32, #tpu.memory_space<hbm>>
      %dma_wait3A_236 = arith.constant 4096 : i32
      %dma_wait3A_237 = tpu.memref_slice %arg5[%add3A_207, %dma_wait3A_236] : memref<1024x8192xf32, #tpu.memory_space<hbm>> -> memref<8x4096xf32, #tpu.memory_space<hbm>>
      tpu.wait_dma2 semaphore(%run_scoped3A : memref<!tpu.dma_semaphore, #tpu.memory_space<semaphore_mem>>) src(%arg9 : memref<8x4096xf32, #tpu.memory_space<vmem>>) dst(%dma_wait3A_237 : memref<8x4096xf32, #tpu.memory_space<hbm>>)
      tpu.yield
    }) : () -> ()
    %dma_wait3A_208 = arith.constant 0 : i32
    %dma_wait3A_209 = tpu.memref_slice %arg5[%mul3A_2, %dma_wait3A_208] : memref<1024x8192xf32, #tpu.memory_space<hbm>> -> memref<8x4096xf32, #tpu.memory_space<hbm>>
    %dma_wait3A_210 = arith.constant 0 : i32
    %dma_wait3A_211 = tpu.memref_slice %arg5[%mul3A_2, %dma_wait3A_210] : memref<1024x8192xf32, #tpu.memory_space<hbm>> -> memref<8x4096xf32, #tpu.memory_space<hbm>>
    tpu.wait_dma2 semaphore(%arg10 : memref<!tpu.dma_semaphore, #tpu.memory_space<semaphore_mem>>) src(%dma_wait3A_211 : memref<8x4096xf32, #tpu.memory_space<hbm>>) dst(%arg8 : memref<8x4096xf32, #tpu.memory_space<vmem>>)
    %convert_element_type3A_212 = arith.extui %eq3A_3 : i1 to i32
    %cond3A_213 = arith.constant 1 : i32
    %cond3A_214 = arith.constant 0 : i32
    %cond3A_215 = arith.cmpi ne, %convert_element_type3A_212, %cond3A_214 : i32
    scf.if %cond3A_215 {
      %dma_start3A_230 = arith.constant 8 : i32
      %dma_start3A_231 = tpu.memref_slice %arg7[%cond3A_213, %dma_start3A_230] : memref<2x16xi32, #tpu.memory_space<vmem>> -> memref<1x8xi32, #tpu.memory_space<vmem>>
      %dma_start3A_232 = tpu.memref_squeeze %dma_start3A_231 : memref<1x8xi32, #tpu.memory_space<vmem>> -> memref<8xi32, #tpu.memory_space<vmem>>
      %dma_start3A_233 = arith.constant 0 : i32
      %dma_start3A_234 = arith.constant 4096 : i32
      %dma_start3A_235 = tpu.memref_slice %arg4[%dma_start3A_233, %dma_start3A_234] : memref<200x8192xf32, #tpu.memory_space<hbm>> -> memref<200x4096xf32, #tpu.memory_space<hbm>>
      tpu.enqueue_indirect_dma source(%dma_start3A_235 : memref<200x4096xf32, #tpu.memory_space<hbm>>) target(%arg9 : memref<8x4096xf32, #tpu.memory_space<vmem>>) offsets(%dma_start3A_232 : memref<8xi32, #tpu.memory_space<vmem>>) semaphore(%arg11 : memref<!tpu.dma_semaphore, #tpu.memory_space<semaphore_mem>>)
    } else {
    }
    %not3A_216 = arith.constant true
    %not3A_217 = arith.xori %eq3A_3, %not3A_216 : i1
    %convert_element_type3A_218 = arith.extui %not3A_217 : i1 to i32
    %cond3A_219 = arith.constant 1 : i32
    %cond3A_220 = arith.constant 0 : i32
    %cond3A_221 = arith.cmpi ne, %convert_element_type3A_218, %cond3A_220 : i32
    scf.if %cond3A_221 {
      %dma_start3A_230 = arith.constant 8 : i32
      %dma_start3A_231 = tpu.memref_slice %arg7[%cond3A_219, %dma_start3A_230] : memref<2x16xi32, #tpu.memory_space<vmem>> -> memref<1x8xi32, #tpu.memory_space<vmem>>
      %dma_start3A_232 = tpu.memref_squeeze %dma_start3A_231 : memref<1x8xi32, #tpu.memory_space<vmem>> -> memref<8xi32, #tpu.memory_space<vmem>>
      %dma_start3A_233 = arith.constant 0 : i32
      %dma_start3A_234 = arith.constant 4096 : i32
      %dma_start3A_235 = tpu.memref_slice %arg3[%dma_start3A_233, %dma_start3A_234] : memref<3000x8192xf32, #tpu.memory_space<hbm>> -> memref<3000x4096xf32, #tpu.memory_space<hbm>>
      tpu.enqueue_indirect_dma source(%dma_start3A_235 : memref<3000x4096xf32, #tpu.memory_space<hbm>>) target(%arg9 : memref<8x4096xf32, #tpu.memory_space<vmem>>) offsets(%dma_start3A_232 : memref<8xi32, #tpu.memory_space<vmem>>) semaphore(%arg11 : memref<!tpu.dma_semaphore, #tpu.memory_space<semaphore_mem>>)
    } else {
    }
    %add3A_222 = arith.constant 24 : i32
    %add3A_223 = arith.addi %mul3A_2, %add3A_222 : i32
    "tpu.region"() ({
      %run_scoped3A = tpu.sem_alloc : memref<!tpu.dma_semaphore, #tpu.memory_space<semaphore_mem>>
      %dma_start3A_230 = arith.constant 0 : i32
      %dma_start3A_231 = tpu.memref_slice %arg5[%add3A_223, %dma_start3A_230] : memref<1024x8192xf32, #tpu.memory_space<hbm>> -> memref<8x4096xf32, #tpu.memory_space<hbm>>
      %dma_start3A_232 = arith.constant 0 : i32
      %dma_start3A_233 = tpu.memref_slice %arg5[%add3A_223, %dma_start3A_232] : memref<1024x8192xf32, #tpu.memory_space<hbm>> -> memref<8x4096xf32, #tpu.memory_space<hbm>>
      tpu.enqueue_dma source(%arg8 : memref<8x4096xf32, #tpu.memory_space<vmem>>) target(%dma_start3A_233 : memref<8x4096xf32, #tpu.memory_space<hbm>>) target_semaphore(%run_scoped3A : memref<!tpu.dma_semaphore, #tpu.memory_space<semaphore_mem>>)
      %dma_wait3A_234 = arith.constant 0 : i32
      %dma_wait3A_235 = tpu.memref_slice %arg5[%add3A_223, %dma_wait3A_234] : memref<1024x8192xf32, #tpu.memory_space<hbm>> -> memref<8x4096xf32, #tpu.memory_space<hbm>>
      %dma_wait3A_236 = arith.constant 0 : i32
      %dma_wait3A_237 = tpu.memref_slice %arg5[%add3A_223, %dma_wait3A_236] : memref<1024x8192xf32, #tpu.memory_space<hbm>> -> memref<8x4096xf32, #tpu.memory_space<hbm>>
      tpu.wait_dma2 semaphore(%run_scoped3A : memref<!tpu.dma_semaphore, #tpu.memory_space<semaphore_mem>>) src(%arg8 : memref<8x4096xf32, #tpu.memory_space<vmem>>) dst(%dma_wait3A_237 : memref<8x4096xf32, #tpu.memory_space<hbm>>)
      tpu.yield
    }) : () -> ()
    %dma_wait3A_224 = arith.constant 0 : i32
    %dma_wait3A_225 = tpu.memref_slice %arg5[%mul3A_2, %dma_wait3A_224] : memref<1024x8192xf32, #tpu.memory_space<hbm>> -> memref<8x4096xf32, #tpu.memory_space<hbm>>
    %dma_wait3A_226 = arith.constant 0 : i32
    %dma_wait3A_227 = tpu.memref_slice %arg5[%mul3A_2, %dma_wait3A_226] : memref<1024x8192xf32, #tpu.memory_space<hbm>> -> memref<8x4096xf32, #tpu.memory_space<hbm>>
    tpu.wait_dma2 semaphore(%arg11 : memref<!tpu.dma_semaphore, #tpu.memory_space<semaphore_mem>>) src(%dma_wait3A_227 : memref<8x4096xf32, #tpu.memory_space<hbm>>) dst(%arg9 : memref<8x4096xf32, #tpu.memory_space<vmem>>)
    %add3A_228 = arith.constant 24 : i32
    %add3A_229 = arith.addi %mul3A_2, %add3A_228 : i32
    "tpu.region"() ({
      %run_scoped3A = tpu.sem_alloc : memref<!tpu.dma_semaphore, #tpu.memory_space<semaphore_mem>>
      %dma_start3A_230 = arith.constant 4096 : i32
      %dma_start3A_231 = tpu.memref_slice %arg5[%add3A_229, %dma_start3A_230] : memref<1024x8192xf32, #tpu.memory_space<hbm>> -> memref<8x4096xf32, #tpu.memory_space<hbm>>
      %dma_start3A_232 = arith.constant 4096 : i32
      %dma_start3A_233 = tpu.memref_slice %arg5[%add3A_229, %dma_start3A_232] : memref<1024x8192xf32, #tpu.memory_space<hbm>> -> memref<8x4096xf32, #tpu.memory_space<hbm>>
      tpu.enqueue_dma source(%arg9 : memref<8x4096xf32, #tpu.memory_space<vmem>>) target(%dma_start3A_233 : memref<8x4096xf32, #tpu.memory_space<hbm>>) target_semaphore(%run_scoped3A : memref<!tpu.dma_semaphore, #tpu.memory_space<semaphore_mem>>)
      %dma_wait3A_234 = arith.constant 4096 : i32
      %dma_wait3A_235 = tpu.memref_slice %arg5[%add3A_229, %dma_wait3A_234] : memref<1024x8192xf32, #tpu.memory_space<hbm>> -> memref<8x4096xf32, #tpu.memory_space<hbm>>
      %dma_wait3A_236 = arith.constant 4096 : i32
      %dma_wait3A_237 = tpu.memref_slice %arg5[%add3A_229, %dma_wait3A_236] : memref<1024x8192xf32, #tpu.memory_space<hbm>> -> memref<8x4096xf32, #tpu.memory_space<hbm>>
      tpu.wait_dma2 semaphore(%run_scoped3A : memref<!tpu.dma_semaphore, #tpu.memory_space<semaphore_mem>>) src(%arg9 : memref<8x4096xf32, #tpu.memory_space<vmem>>) dst(%dma_wait3A_237 : memref<8x4096xf32, #tpu.memory_space<hbm>>)
      tpu.yield
    }) : () -> ()
    return
  }
}

</mosaic_0001>

<sc_bundles>
// kernel: _sc_gather.3.cloned.1.call-start
scs
__scs_entry_jumppad:
0x0: {  	(pc) =	sbr.rel $0x88, $3  }
0x1: {  	(tag) =	ssettag $0x0;
	lr =	simm.s32 $0x1  }
0x2: {  	[smem:$0x3F9E] =	sst lr;
	_ =	strace $0xD0000000  }
0x3: {  	_ = 	snop  }
0x4: {  	_ = 	snop  }
0x5: {  	_ = 	snop  }
0x6: {  	_ = 	snop  }
0x7: {  	_ = 	snop  }
__scs_overlays_trampoline_lowered:
0x8: {  	[smem:$0x3FAD] =	sst s0  }
0x9: {  	[smem:$0x3FAE] =	sst s1  }
0xa: {  	[smem:$0x3FAF] =	sst s2  }
0xb: {  	[smem:$0x3FB0] =	sst s3  }
0xc: {  	[smem:$0x3FB1] =	sst s4  }
0xd: {  	[smem:$0x3FB2] =	sst s5  }
0xe: {  	[smem:$0x3FB3] =	sst s6  }
0xf: {  	[smem:$0x3FB4] =	sst s7  }
0x10: {  	[smem:$0x3FB5] =	sst s8  }
0x11: {  	[smem:$0x3FB6] =	sst s9;
	s0 =	simm.s32 @!p0 $0x0  }
0x12: {  	s1 =	sld [smem:$0x3F9C];
	s0 =	simm.s32 @p0 $0x1  }
0x13: {  	[smem:$0x3FB7] =	sst s0;
	s0 =	simm.s32 @!p1 $0x0  }
0x14: {  	s2 =	sld [smem:$0x3F9B];
	s0 =	simm.s32 @p1 $0x1  }
0x15: {  	[smem:$0x3FB8] =	sst s0;
	s0 =	simm.s32 @!p2 $0x0  }
0x16: {  	s3 =	sld [smem:$0x3FDB];
	s0 =	simm.s32 @p2 $0x1  }
0x17: {  	s4 =	simm.s32 $0x1BF5;
	[smem:$0x3FBA] =	sst s0  }
0x18: {  	s0 =	sld [smem:$0x3F9D];
	_ =	swait.ge [sflag:s4], $0x0  }
0x19: {  	s7 =	sld [smem:$0x3F9E]  }
0x1a: {  	s8 =	sadd.s32 $0xFFFFE003, lr  }
0x1b: {  	s9 =	sadd.s32 $0xFFFFFEF7, lr;
	s5 =	simm.s32 $0xFFFFFFFF;
	p2 =	slt.u32 s8, $0xFFFFF086  }
0x1c: {  	p1 =	slt.u32 s9, $0xF7A;
	s5 =	simm.s32 @!p2 $0x0  }
0x1d: {  	s5 =	simm.s32 @p1 $0x1;
	p0 =	seq.s32 s7, s2  }
0x1e: {  	s7 =	smul.u32 @!p0 $0xF7A, s2;
	p2 =	seq.s32 @!p0 s5, $0x0  }
0x1f: {  	s9 =	smul.u32 $0xF7A, s1;
	s8 =	simm.s32 @!p0 $0x1BF5;
	p2 =	por !p2, p0  }
0x20: {  	[sflag:s8] =	ssyncset.s32 @!p0 $0xFFFFF086;
	s6 =	sadd.s32 @!p0 s3, s7;
	s7 =	simm.s32 @!p0 $0x108  }
0x21: {  	s3 =	sadd.s32 s3, s9;
	s6 =	sadd.s32 @!p0 $0x88, s6;
	s7 =	simm.s32 @p2 $0x1082  }
0x22: {  	[simem:s7], [sflag:s8] =	dma.local @!p0 [hbm:s6], $0xF7A  }
0x23: {  	s9 =	sor.u32 $0xD0000000, s2;
	s6 =	simm.s32 $0x108;
	_ =	swait.ge @!p0 [sflag:s8], $0x0  }
0x24: {  	s3 =	sadd.s32 $0x88, s3;
	s6 =	simm.s32 @!p1 $0x1082;
	[sflag:s4] =	ssyncset.s32 $0xFFFFF086  }
0x25: {  	[simem:s6], [sflag:s4] =	dma.local [hbm:s3], $0xF7A  }
0x26: {  	[smem:$0x3F9E] =	sst s1;
	(tag) =	ssettag s2;
	_ =	strace s9  }
0x27: {  	s1 =	sld [smem:$0x3FAE]  }
0x28: {  	s2 =	sld [smem:$0x3FAF]  }
0x29: {  	s4 =	sld [smem:$0x3FB1]  }
0x2a: {  	p0 =	seq.s32 s5, $0x0;
	s5 =	sld [smem:$0x3FB2]  }
0x2b: {  	s6 =	sld [smem:$0x3FB3]  }
0x2c: {  	s7 =	sld [smem:$0x3FB4]  }
0x2d: {  	s3 =	simm.s32 $0x108;
	s8 =	sld [smem:$0x3FB5]  }
0x2e: {  	s3 =	simm.s32 @!p0 $0x1082;
	s9 =	sld [smem:$0x3FB6]  }
0x2f: {  	lr =	sadd.s32 s0, s3;
	s0 =	sld [smem:$0x3FAD]  }
0x30: {  	s3 =	sld [smem:$0x3FB0]  }
0x31: {  	[smem:$0x3FB9] =	sst s10  }
0x32: {  	s10 =	sld [smem:$0x3FB7];
	_ =	sdelay $0x3  }
0x33: {  	p0 =	seq.s32 s10, $0x1;
	s10 =	sld [smem:$0x3FB9];
	_ =	sdelay $0x3  }
0x34: {  	[smem:$0x3FB9] =	sst s10  }
0x35: {  	s10 =	sld [smem:$0x3FB8];
	_ =	sdelay $0x3  }
0x36: {  	p1 =	seq.s32 s10, $0x1;
	s10 =	sld [smem:$0x3FB9];
	_ =	sdelay $0x3  }
0x37: {  	[smem:$0x3FB9] =	sst s10  }
0x38: {  	s10 =	sld [smem:$0x3FBA]  }
0x39: {  	_ = 	snop;
	(pc) =	sbr.ind lr, $3  }
0x3a: {  	_ = 	snop  }
0x3b: {  	_ = 	snop  }
0x3c: {  	p2 =	seq.s32 s10, $0x1;
	s10 =	sld [smem:$0x3FB9]  }
0x3d: {  	_ =	shalt  }
0x3e: {  	_ =	shalt  }
0x3f: {  	_ =	shalt  }
0x40: {  	_ =	shalt  }
0x41: {  	_ =	shalt  }
0x42: {  	_ =	shalt  }
0x43: {  	_ =	shalt  }
0x44: {  	_ =	shalt  }
0x45: {  	_ =	shalt  }
0x46: {  	_ =	shalt  }
0x47: {  	_ =	shalt  }
0x48: {  	_ =	shalt  }
0x49: {  	_ =	shalt  }
0x4a: {  	_ =	shalt  }
0x4b: {  	_ =	shalt  }
0x4c: {  	_ =	shalt  }
0x4d: {  	_ =	shalt  }
0x4e: {  	_ =	shalt  }
0x4f: {  	_ =	shalt  }
0x50: {  	_ =	shalt  }
0x51: {  	_ =	shalt  }
0x52: {  	_ =	shalt  }
0x53: {  	_ =	shalt  }
0x54: {  	_ =	shalt  }
0x55: {  	_ =	shalt  }
0x56: {  	_ =	shalt  }
0x57: {  	_ =	shalt  }
0x58: {  	_ =	shalt  }
0x59: {  	_ =	shalt  }
0x5a: {  	_ =	shalt  }
0x5b: {  	_ =	shalt  }
0x5c: {  	_ =	shalt  }
0x5d: {  	_ =	shalt  }
0x5e: {  	_ =	shalt  }
0x5f: {  	_ =	shalt  }
0x60: {  	_ =	shalt  }
0x61: {  	_ =	shalt  }
0x62: {  	_ =	shalt  }
0x63: {  	_ =	shalt  }
0x64: {  	_ =	shalt  }
0x65: {  	_ =	shalt  }
0x66: {  	_ =	shalt  }
0x67: {  	_ =	shalt  }
0x68: {  	_ =	shalt  }
0x69: {  	_ =	shalt  }
0x6a: {  	_ =	shalt  }
0x6b: {  	_ =	shalt  }
0x6c: {  	_ =	shalt  }
0x6d: {  	_ =	shalt  }
0x6e: {  	_ =	shalt  }
0x6f: {  	_ =	shalt  }
0x70: {  	_ =	shalt  }
0x71: {  	_ =	shalt  }
0x72: {  	_ =	shalt  }
0x73: {  	_ =	shalt  }
0x74: {  	_ =	shalt  }
0x75: {  	_ =	shalt  }
0x76: {  	_ =	shalt  }
0x77: {  	_ =	shalt  }
0x78: {  	_ =	shalt  }
0x79: {  	_ =	shalt  }
0x7a: {  	_ =	shalt  }
0x7b: {  	_ =	shalt  }
0x7c: {  	_ =	shalt  }
0x7d: {  	_ =	shalt  }
0x7e: {  	_ =	shalt  }
0x7f: {  	_ =	shalt  }
0x80: {  	_ =	shalt  }
0x81: {  	_ =	shalt  }
0x82: {  	_ =	shalt  }
0x83: {  	_ =	shalt  }
0x84: {  	_ =	shalt  }
0x85: {  	_ =	shalt  }
0x86: {  	_ =	shalt  }
0x87: {  	_ =	shalt  }
.Lfunc_end0:
.L_simem_size_0:
called_computation_lowered:
.L_overlay_start_0:
0x88: {  	s2 =	sld [smem:$0x3FD9]  }
0x89: {  	s3 =	sld [smem:$0x3FFE];
	_ =	sdelay $0x1  }
0x8a: {  	s1 =	srdreg.scid  }
0x8b: {  	s0 =	sand.u32 $0x1, s1  }
0x8c: {  	s18 =	sshll.u32 s0, $0xA;
	s2 =	sadd.s32 s3, s2  }
0x8d: {  	s2 =	sadd.s32 s2, s18  }
0x8e: {  	[smem:$0x3FC5] =	sst s2  }
0x8f: {  	_ = 	snop  }
0x90: {  	s2 =	sld [smem:$0x3FC9]  }
0x91: {  	s19 =	sld [smem:$0x3FC8]  }
0x92: {  	s4 =	sld [smem:$0x3FC7]  }
0x93: {  	s5 =	sld [smem:$0x3FD0];
	(tm) =	ssettm $0x1  }
0x94: {  	s6 =	sld [smem:$0x3FFB];
	_ =	sdelay $0x3  }
0x95: {  	_ =	strace s6  }
0x96: {  	s6 =	sld [smem:$0x3FFC];
	_ =	sdelay $0x3  }
0x97: {  	_ =	strace s6  }
0x98: {  	s6 =	sld [smem:$0x3FFD];
	_ =	sdelay $0x3  }
0x99: {  	_ =	strace s6  }
0x9a: {  	_ =	strace $0x8FFFFFFF  }
0x9b: {  	s20 =	sld [smem:$0x3FDB];
	_ =	sdelay $0x1  }
0x9c: {  	s7 =	simm.s32 $_scs_section_size  }
0x9d: {  	s8 =	simm.s32 $_size__tile_overlayer_lowered;
	s9 =	simm.s32 $_tile_overlayer_lowered  }
0x9e: {  	s23 =	simm.s32 $0x1BFF;
	s22 =	sshll.u32 s9, $0x1;
	s6 =	sadd.s32 s7, s20  }
0x9f: {  	s10 =	simm.s32 $0x0;
	s21 =	sshll.u32 s8, $0x1;
	s8 =	sadd.s32 s22, s6  }
0xa0: {  	[timem:s10], [sflag:s23] =	dma.local [hbm:s8], s21  }
0xa1: {  	_ =	swait.ge [sflag:s23], s21  }
0xa2: {  	s7 =	ssub.s32 $0x0, s21;
	[sflag:s23] =	ssyncset.done $0x0  }
0xa3: {  	[sflag:s23] =	ssyncadd.s32 s7;
	_ =	sdelay $0x1  }
0xa4: {  	s24 =	simm.s32 $0x1B8B  }
0xa5: {  	_ =	swait.ge [sflag:s24], $0x1  }
0xa6: {  	[sflag:s24] =	ssyncset.done $0x0  }
0xa7: {  	s25 =	simm.s32 $0x1B8E;
	[sflag:s24] =	ssyncadd.s32 $0xFFFFFFFF  }
0xa8: {  	s26 =	simm.s32 $execute0_lowered;
	[smem:$0x3FD2] =	sst s25  }
0xa9: {  	s7 =	sshll.u32 s26, $0x1;
	_ =	strace $0x80000046;
	[dreg:$0x1] =	wrdreg $0xFFFFFFFF  }
0xaa: {  	s28 =	simm.s32 $_size_execute0_lowered;
	s6 =	sadd.s32 s6, s7;
	[dreg:$0x0] =	wrdreg $0x0  }
0xab: {  	s7 =	sshll.u32 s28, $0x1;
	[dreg:$0x2] =	wrdreg s6  }
0xac: {  	[dreg:$0x3] =	wrdreg s7  }
0xad: {  	[dreg:$0x4] =	wrdreg $0xC0  }
0xae: {  	_ =	task [dreg:s10], $0x5FFFF  }
0xaf: {  	[dreg:$0x1] =	wrdreg $0xFFFFFFFF  }
0xb0: {  	[dreg:$0x0] =	wrdreg $0x60  }
0xb1: {  	[dreg:$0x2] =	wrdreg s2  }
0xb2: {  	[dreg:$0x3] =	wrdreg s19  }
0xb3: {  	[dreg:$0x4] =	wrdreg s4  }
0xb4: {  	[dreg:$0x5] =	wrdreg s5  }
0xb5: {  	[dreg:$0x6] =	wrdreg $0x9  }
0xb6: {  	_ =	task.clear_ibuf [dreg:s10], $0x7FFFF;
	_ =	strace $0x90000046  }
0xb7: {  	s29 =	simm.s32 $0x9;
	_ =	strace $0x80000048  }
0xb8: {  	_ =	swait.ge [sflag:s29], $0x1  }
0xb9: {  	[sflag:s29] =	ssyncadd.s32 $0xFFFFFFFF  }
0xba: {  	_ =	strace $0x90000048  }
0xbb: {  	_ =	sfence  }
0xbc: {  	s30 =	sld [smem:$0x0];
	_ =	sdelay $0x2  }
0xbd: {  	s31 =	sshll.u32 s1, $0xD;
	s1 =	sshrl.u32 s1, $0x2  }
0xbe: {  	s3 =	sand.u32 $0x4000, s31;
	s1 =	sadd.s32 s1, s30  }
0xbf: {  	s0 =	sor.u32 s3, s0;
	s1 =	sshll.u32 s1, $0x11  }
0xc0: {  	s0 =	sor.u32 s1, s0  }
0xc1: {  	s0 =	sadd.s32 $0x8F2B, s0  }
0xc2: {  	[sflag:s0] =	ssyncadd.remote.s32 $0x1  }
0xc3: {  	_ =	sfence.sel $0xFFFF  }
0xc4: {  	[dreg:$0x0] =	wrdreg $0xFFFFFFFF;
	(pc) =	sbr.abs _section_cstart, $3  }
0xc5: {  	[dreg:$0x1] =	wrdreg $0xFFFFFFFF  }
0xc6: {  	_ =	task.clear_ibuf [dreg:s10], $0x2FFFF;
	_ =	strace $0x9FFFFFFF  }
0xc7: {  	(tm) =	ssettm $0x7FFFFFFF  }
tec
execute0_lowered:
.L_overlay_start_1:
0x0: {  	(tag) =	ssettag $0x1  }
0x1: {  	s0 =	rddreg [dreg:$0x0]  }
0x2: {  	s7 =	rddreg [dreg:$0x1]  }
0x3: {  	s15 =	rddreg [dreg:$0x2]  }
0x4: {  	s1 =	rddreg [dreg:$0x3];
	s4 =	simm.s32 $0x0  }
0x5: {  	[smem:$0x7FF] =	sst s4;
	s14 =	sadd.s32 $0x100, s7  }
0x6: {  	s16 =	sadd.s32 $0x200, s7;
	_ =	strace $0x80000047;
	[dreg:$0x6] =	wrdreg s14  }
0x7: {  	s17 =	sadd.s32 $0x300, s7;
	[dreg:$0x7] =	wrdreg s16  }
0x8: {  	s18 =	sadd.s32 $0x400, s7;
	[dreg:$0x8] =	wrdreg s17  }
0x9: {  	s19 =	sadd.s32 $0x500, s7;
	[dreg:$0x9] =	wrdreg s18  }
0xa: {  	s20 =	sadd.s32 $0x600, s7;
	[dreg:$0xa] =	wrdreg s19  }
0xb: {  	s21 =	sadd.s32 $0x700, s7;
	[dreg:$0xb] =	wrdreg s20  }
0xc: {  	s22 =	sadd.s32 $0x800, s7;
	[dreg:$0xc] =	wrdreg s21  }
0xd: {  	s23 =	sadd.s32 $0x900, s7;
	[dreg:$0xd] =	wrdreg s22  }
0xe: {  	s24 =	sadd.s32 $0xA00, s7;
	[dreg:$0xe] =	wrdreg s23  }
0xf: {  	s25 =	sadd.s32 $0xB00, s7;
	[dreg:$0xf] =	wrdreg s24  }
0x10: {  	s26 =	sadd.s32 $0xC00, s7;
	[dreg:$0x10] =	wrdreg s25  }
0x11: {  	s29 =	sadd.s32 $0xD00, s7;
	[dreg:$0x11] =	wrdreg s26  }
0x12: {  	s30 =	sadd.s32 $0xE00, s7;
	[dreg:$0x12] =	wrdreg s29  }
0x13: {  	s8 =	sadd.s32 $0x100, s15;
	[dreg:$0x13] =	wrdreg s30  }
0x14: {  	s9 =	sadd.s32 $0x200, s15;
	[smem:$0x7EF] =	sst s8  }
0x15: {  	s10 =	sadd.s32 $0x300, s15;
	[smem:$0x7F0] =	sst s9  }
0x16: {  	s11 =	sadd.s32 $0x400, s15;
	[smem:$0x7F1] =	sst s10  }
0x17: {  	s12 =	sadd.s32 $0x500, s15;
	[smem:$0x7F2] =	sst s11  }
0x18: {  	[smem:$0x7F3] =	sst s12;
	s14 =	sadd.s32 $0x700, s15  }
0x19: {  	s16 =	sadd.s32 $0x800, s15;
	[smem:$0x7F4] =	sst s14  }
0x1a: {  	s17 =	sadd.s32 $0x900, s15;
	[dreg:$0x19] =	wrdreg s16  }
0x1b: {  	s18 =	sadd.s32 $0xA00, s15;
	[smem:$0x7F5] =	sst s17  }
0x1c: {  	s2 =	srdreg.scid;
	s20 =	sadd.s32 $0xB00, s15;
	[smem:$0x7F6] =	sst s18  }
0x1d: {  	s3 =	stileid.u32;
	s21 =	sadd.s32 $0xC00, s15;
	[dreg:$0x1a] =	wrdreg s20  }
0x1e: {  	s2 =	sand.u32 $0x1, s2;
	s22 =	sadd.s32 $0xD00, s15;
	[dreg:$0x1b] =	wrdreg s21  }
0x1f: {  	s3 =	sshll.u32 s3, $0x1;
	s23 =	sadd.s32 $0xE00, s15;
	[dreg:$0x1c] =	wrdreg s22  }
0x20: {  	s5 =	ssub.s32 $0x2, s2;
	s24 =	sadd.s32 $0xF00, s15;
	[smem:$0x7F7] =	sst s23  }
0x21: {  	s2 =	sor.u32 s2, s3;
	s26 =	sadd.s32 $0x1000, s15;
	[dreg:$0x1e] =	wrdreg s24  }
0x22: {  	s19 =	sadd.s32 $0x1000, s7;
	s6 =	sshll.u32 s2, $0x2;
	[smem:$0x7F8] =	sst s26  }
0x23: {  	v0 =	vimm.f32 $6.000000000e+00;
	s13 =	sshrl.u32 s5, $0x1;
	[smem:$0x7FD] =	sst s19;
	s0 =	sadd.s32 s0, s6  }
0x24: {  	s31 =	sshll.u32 s2, $0xF;
	(erf) = vrcp.f32 v0;
	v0 =	vimm.f32 $1.500000000e+02;
	s6 =	sadd.s32 $0xF00, s7;
	[dreg:$0x5] =	wrdreg s0  }
0x25: {  	s3 =	ssub.s32 s5, s13;
	s13 =	sadd.s32 $0x600, s15;
	(erf) = vrcp.f32 v0;
	[dreg:$0x14] =	wrdreg s6  }
0x26: {  	s0 =	sadd.s32 s1, s31;
	[dreg:$0x1d] =	wrdreg s13  }
0x27: {  	s1 =	sadd.s32 $0x1000, s0;
	[dreg:$0x15] =	wrdreg s0  }
0x28: {  	s7 =	sadd.s32 $0x2000, s0;
	[dreg:$0x16] =	wrdreg s1  }
0x29: {  	s25 =	sadd.s32 $0x3000, s0;
	[dreg:$0x17] =	wrdreg s7  }
.Ltmp0:
0x2a: {  	s29 =	sadd.s32 $0x4000, s0;
	[dreg:$0x1f] =	wrdreg s25;
	(pc) =	sbr.rel .LBB2_1-.Ltmp0, $4  }
0x2b: {  	s28 =	simm.s32 $0x3;
	s30 =	sadd.s32 $0x5000, s0;
	[smem:$0x7F9] =	sst s29  }
0x2c: {  	v1 =	vlaneseq.u32;
	s12 =	simm.s32 $0x9980;
	s31 =	sadd.s32 $0x6000, s0;
	[smem:$0x7FA] =	sst s30  }
0x2d: {  	vm0 =	vmmov $0xffff;
	v2 =	vshrl.u32 v1, $0x3;
	v1 =	vand.u32 $0x7, v1;
	p0 =	sne.s32 s2, $0x1F;
	s0 =	sadd.s32 $0x7000, s0;
	[smem:$0x7FB] =	sst s31;
	v0 =	vpop (erf)  }
0x2e: {  	v2 =	vmul.u32 $0x8, v2;
	s20 =	simm.s32 $0x180;
	vm1 =	vmmov @p0 $0xffff;
	vm2 =	vmmov @!p0 $0xffff;
	s1 =	smax.u32 s3, $0x1;
	[smem:$0x7FC] =	sst s0;
	v3 =	vpop (erf)  }
.LBB2_6:
0x2f: {  	v4 =	vld.msk [tilespmem:$0x108], $0xff;
	_ =	sdelay $0x4  }
0x30: {  	v5 =	vshll.u32 v4, $0x6  }
0x31: {  	v4 =	vand.u32 $0x7, v4;
	v5 =	vand.u32 $0xFFFFFE00, v5  }
0x32: {  	v4 =	vor.u32 v4, v5  }
0x33: {  	v4 =	vperm.xlane v4, v1;
	_ =	sdelay $0x1  }
0x34: {  	v4 =	vadd.s32 v2, v4;
	_ =	sdelay $0x3  }
0x35: {  	s0 =	sld [smem:$0x7E5]  }
0x36: {  	[tilespmem:s3], [sflag:$0x2] =	stream.indirect_vreg.gather [hbm4b:s19+s4], $0x80, v4, vm0, $0xb8;
	[tilespmem:$0x10180] =	vst v63  }
0x37: {  	s1 =	sld [smem:$0x7E0]  }
0x38: {  	[tilespmem:s6], [sflag:$0x2] =	stream.indirect_vreg.gather [hbm4b:s0+s4], $0x80, v4, vm0, $0xb8;
	[tilespmem:$0x10180] =	vst v63  }
0x39: {  	s2 =	sld [smem:$0x7E1]  }
0x3a: {  	[tilespmem:s31], [sflag:$0x2] =	stream.indirect_vreg.gather [hbm4b:s1+s4], $0x80, v4, vm0, $0xb8;
	[tilespmem:$0x10180] =	vst v63  }
0x3b: {  	s12 =	simm.s32 $0x9980;
	s1 =	sld [smem:$0x7E2]  }
0x3c: {  	[tilespmem:s12], [sflag:$0x2] =	stream.indirect_vreg.gather [hbm4b:s2+s4], $0x80, v4, vm0, $0xb8;
	[tilespmem:$0x10180] =	vst v63  }
0x3d: {  	s5 =	simm.s32 $0xA180;
	s6 =	sld [smem:$0x7E6]  }
0x3e: {  	[tilespmem:s5], [sflag:$0x2] =	stream.indirect_vreg.gather [hbm4b:s1+s4], $0x80, v4, vm0, $0xb8;
	[tilespmem:$0x10180] =	vst v63  }
0x3f: {  	s13 =	sld [smem:$0x7E7]  }
0x40: {  	[tilespmem:s10], [sflag:$0x2] =	stream.indirect_vreg.gather [hbm4b:s6+s4], $0x80, v4, vm0, $0xb8;
	[tilespmem:$0x10180] =	vst v63  }
0x41: {  	s14 =	sld [smem:$0x7E8]  }
0x42: {  	[tilespmem:s25], [sflag:$0x2] =	stream.indirect_vreg.gather [hbm4b:s13+s4], $0x80, v4, vm0, $0xb8;
	[tilespmem:$0x10180] =	vst v63  }
0x43: {  	s15 =	sld [smem:$0x7E3]  }
0x44: {  	[tilespmem:s8], [sflag:$0x2] =	stream.indirect_vreg.gather [hbm4b:s14+s4], $0x80, v4, vm0, $0xb8;
	[tilespmem:$0x10180] =	vst v63  }
0x45: {  	s21 =	sld [smem:$0x7E9]  }
0x46: {  	[tilespmem:s17], [sflag:$0x2] =	stream.indirect_vreg.gather [hbm4b:s15+s4], $0x80, v4, vm0, $0xb8;
	[tilespmem:$0x10180] =	vst v63  }
0x47: {  	s22 =	sld [smem:$0x7E4]  }
0x48: {  	[tilespmem:s11], [sflag:$0x2] =	stream.indirect_vreg.gather [hbm4b:s21+s4], $0x80, v4, vm0, $0xb8;
	[tilespmem:$0x10180] =	vst v63  }
0x49: {  	s25 =	sld [smem:$0x7EA]  }
0x4a: {  	[tilespmem:s7], [sflag:$0x2] =	stream.indirect_vreg.gather [hbm4b:s22+s4], $0x80, v4, vm0, $0xb8;
	[tilespmem:$0x10180] =	vst v63  }
0x4b: {  	s26 =	sld [smem:$0x7EB]  }
0x4c: {  	[tilespmem:s18], [sflag:$0x2] =	stream.indirect_vreg.gather [hbm4b:s25+s4], $0x80, v4, vm0, $0xb8;
	[tilespmem:$0x10180] =	vst v63  }
0x4d: {  	s29 =	sld [smem:$0x7EC]  }
0x4e: {  	[tilespmem:s16], [sflag:$0x2] =	stream.indirect_vreg.gather [hbm4b:s26+s4], $0x80, v4, vm0, $0xb8;
	[tilespmem:$0x10180] =	vst v63  }
0x4f: {  	s30 =	sld [smem:$0x7ED]  }
0x50: {  	[tilespmem:s23], [sflag:$0x2] =	stream.indirect_vreg.gather [hbm4b:s29+s4], $0x80, v4, vm0, $0xb8;
	[tilespmem:$0x10180] =	vst v63  }
0x51: {  	s31 =	sld [smem:$0x7EE]  }
0x52: {  	[tilespmem:s24], [sflag:$0x2] =	stream.indirect_vreg.gather [hbm4b:s30+s4], $0x80, v4, vm0, $0xb8;
	[tilespmem:$0x10180] =	vst v63  }
0x53: {  	s1 =	rddreg [dreg:$0x18]  }
0x54: {  	[tilespmem:s9], [sflag:$0x2] =	stream.indirect_vreg.gather [hbm4b:s31+s4], $0x80, v4, vm0, $0xb8;
	[tilespmem:$0x10180] =	vst v63  }
.LBB2_7:
0x55: {  	s0 =	sld [smem:$0x7FB];
	_ =	sdelay $0x2  }
0x56: {  	[hbm4b:s0+s4] =	stream.linear.scatter [tilespmem:s20], [sflag:$0x3], $0x8000, $0x38;
	[tilespmem:$0x10180] =	vst v63  }
0x57: {  	_ =	swait.ge [sflag:s28], $0x8000  }
0x58: {  	[sflag:s28] =	ssyncset.done $0x0  }
0x59: {  	s30 =	simm.s32 $0x2;
	[sflag:s28] =	ssyncadd.s32 $0xFFFF8000  }
0x5a: {  	_ =	swait.ge [sflag:s30], $0x8000  }
0x5b: {  	s1 =	sadd.s32 $0xFFFFFFFF, s1;
	s31 =	sld [smem:$0x7FC]  }
0x5c: {  	p1 =	sne.s32 s1, $0x0;
	[sflag:s30] =	ssyncset.done $0x0  }
.Ltmp1:
0x5d: {  	[sflag:s30] =	ssyncadd.s32 $0xFFFF8000;
	(pc) =	sbr.rel @!p1 .LBB2_8-.Ltmp1, $4  }
0x5e: {  	[hbm4b:s31+s4] =	stream.linear.scatter [tilespmem:s3], [sflag:$0x3], $0x8000, $0x38;
	[tilespmem:$0x10180] =	vst v63  }
0x5f: {  	_ =	swait.ge [sflag:s28], $0x8000  }
0x60: {  	[sflag:s28] =	ssyncset.done $0x0  }
0x61: {  	[sflag:s28] =	ssyncadd.s32 $0xFFFF8000  }
.LBB2_1:
0x62: {  	[dreg:$0x18] =	wrdreg s1  }
0x63: {  	s2 =	rddreg [dreg:$0x5]  }
0x64: {  	[tilespmem:s4], [sflag:$0x3] =	stream.linear.gather [hbm4b:s2+s4], $0x20, $0x38;
	[tilespmem:$0x10180] =	vst v63  }
0x65: {  	_ =	swait.ge [sflag:s28], $0x20  }
0x66: {  	[sflag:s28] =	ssyncset.done $0x0  }
0x67: {  	[sflag:s28] =	ssyncadd.s32 $0xFFFFFFE0  }
0x68: {  	v4 =	vld [tilespmem:$0x0];
	_ =	sdelay $0x4  }
0x69: {  	v4 =	vadd.f32 $3.000000000e+00, v4;
	_ =	sdelay $0x1  }
0x6a: {  	v4 =	vmul.f32 v4, v0;
	_ =	sdelay $0x1  }
0x6b: {  	v4 =	vmul.f32 $2.999000000e+03, v4;
	_ =	sdelay $0x1  }
0x6c: {  	v4 =	vmax.f32 v4, $0.0e+00  }
0x6d: {  	v7 =	vld [tilespmem:$0x10];
	v4 =	vmin.f32 v4, $2.999000000e+03  }
0x6e: {  	v5 =	vtrunc.f32 v4  }
0x6f: {  	v5 =	vcvt.f32.s32 v5;
	_ =	sdelay $0x1  }
0x70: {  	v6 =	vcvt.s32.f32 v5  }
0x71: {  	v8 =	vadd.f32 @p0 $3.000000000e+00, v7  }
0x72: {  	v7 =	vadd.f32 @!p0 $-5.000000000e+01, v7;
	v4 =	vsub.f32 v4, v6;
	_ =	sdelay $0x1  }
0x73: {  	v7 =	vmul.f32 @!p0 v7, v3;
	v59 =	vand.u32 $0x1, v5;
	vm3 =	veq.f32 v4, $5.000000000e-01  }
0x74: {  	v6 =	vnsel vm3, $0x0, v59;
	vm3 =	vgt.f32 v4, $5.000000000e-01;
	v4 =	vmul.f32 @p0 v8, v0  }
0x75: {  	v6 =	vsel vm3, $0x1, v6  }
0x76: {  	v5 =	vadd.s32 v5, v6;
	v4 =	vmul.f32 @p0 $2.999000000e+03, v4;
	v6 =	vmul.f32 @!p0 $1.990000000e+02, v7  }
0x77: {  	[tilespmem:$0x80] =	vst v5  }
0x78: {  	v4 =	vmax.f32 @p0 v4, $0.0e+00;
	v5 =	vmax.f32 @!p0 v6, $0.0e+00;
	v60 =	vld.msk [tilespmem:$0x80], $0xff  }
0x79: {  	v4 =	vmin.f32 @p0 v4, $2.999000000e+03;
	v5 =	vmin.f32 @!p0 v5, $1.990000000e+02  }
0x7a: {  	v4 =	vpsel p0, v4, v5  }
0x7b: {  	v5 =	vtrunc.f32 v4  }
0x7c: {  	v5 =	vcvt.f32.s32 v5  }
0x7d: {  	v61 =	vshll.u32 v60, $0x6  }
0x7e: {  	v6 =	vand.u32 $0x7, v60;
	v62 =	vcvt.s32.f32 v5;
	v7 =	vand.u32 $0xFFFFFE00, v61  }
0x7f: {  	v6 =	vor.u32 v6, v7  }
0x80: {  	v4 =	vsub.f32 v4, v62;
	v6 =	vperm.xlane v6, v1;
	_ =	sdelay $0x1  }
0x81: {  	v63 =	vand.u32 $0x1, v5;
	vm3 =	veq.f32 v4, $5.000000000e-01;
	v6 =	vadd.s32 v2, v6  }
0x82: {  	vm4 =	vgt.f32 v4, $5.000000000e-01;
	v4 =	vnsel vm3, $0x0, v63  }
0x83: {  	v4 =	vsel vm4, $0x1, v4  }
0x84: {  	v4 =	vadd.s32 v5, v4  }
0x85: {  	s14 =	rddreg [dreg:$0x1];
	[tilespmem:$0x100] =	vst v4  }
0x86: {  	[tilespmem:s20], [sflag:$0x1] =	stream.indirect_vreg.gather [hbm4b:s14+s4], $0x80, v6, vm0, $0xb8;
	[tilespmem:$0x10180] =	vst v63  }
0x87: {  	s0 =	simm.s32 $0x980;
	s16 =	rddreg [dreg:$0x6]  }
0x88: {  	[tilespmem:s0], [sflag:$0x1] =	stream.indirect_vreg.gather [hbm4b:s16+s4], $0x80, v6, vm0, $0xb8;
	[tilespmem:$0x10180] =	vst v63  }
0x89: {  	s24 =	simm.s32 $0x1180;
	s17 =	rddreg [dreg:$0x7]  }
0x8a: {  	[tilespmem:s24], [sflag:$0x1] =	stream.indirect_vreg.gather [hbm4b:s17+s4], $0x80, v6, vm0, $0xb8;
	[tilespmem:$0x10180] =	vst v63  }
0x8b: {  	s25 =	simm.s32 $0x1980;
	s18 =	rddreg [dreg:$0x8]  }
0x8c: {  	[tilespmem:s25], [sflag:$0x1] =	stream.indirect_vreg.gather [hbm4b:s18+s4], $0x80, v6, vm0, $0xb8;
	[tilespmem:$0x10180] =	vst v63  }
0x8d: {  	s26 =	simm.s32 $0x2180;
	s15 =	rddreg [dreg:$0x9]  }
0x8e: {  	[tilespmem:s26], [sflag:$0x1] =	stream.indirect_vreg.gather [hbm4b:s15+s4], $0x80, v6, vm0, $0xb8;
	[tilespmem:$0x10180] =	vst v63  }
0x8f: {  	s31 =	simm.s32 $0x2980;
	s29 =	rddreg [dreg:$0xa]  }
0x90: {  	[tilespmem:s31], [sflag:$0x1] =	stream.indirect_vreg.gather [hbm4b:s29+s4], $0x80, v6, vm0, $0xb8;
	[tilespmem:$0x10180] =	vst v63  }
0x91: {  	s3 =	simm.s32 $0x3180;
	s2 =	rddreg [dreg:$0xb]  }
0x92: {  	[tilespmem:s3], [sflag:$0x1] =	stream.indirect_vreg.gather [hbm4b:s2+s4], $0x80, v6, vm0, $0xb8;
	[tilespmem:$0x10180] =	vst v63  }
0x93: {  	s6 =	simm.s32 $0x3980;
	s5 =	rddreg [dreg:$0xc]  }
0x94: {  	[tilespmem:s6], [sflag:$0x1] =	stream.indirect_vreg.gather [hbm4b:s5+s4], $0x80, v6, vm0, $0xb8;
	[tilespmem:$0x10180] =	vst v63  }
0x95: {  	s8 =	simm.s32 $0x4180;
	s7 =	rddreg [dreg:$0xd]  }
0x96: {  	[tilespmem:s8], [sflag:$0x1] =	stream.indirect_vreg.gather [hbm4b:s7+s4], $0x80, v6, vm0, $0xb8;
	[tilespmem:$0x10180] =	vst v63  }
0x97: {  	s9 =	simm.s32 $0x4980;
	s31 =	rddreg [dreg:$0xe]  }
0x98: {  	[tilespmem:s9], [sflag:$0x1] =	stream.indirect_vreg.gather [hbm4b:s31+s4], $0x80, v6, vm0, $0xb8;
	[tilespmem:$0x10180] =	vst v63  }
0x99: {  	s10 =	simm.s32 $0x5180;
	s14 =	rddreg [dreg:$0xf]  }
0x9a: {  	[tilespmem:s10], [sflag:$0x1] =	stream.indirect_vreg.gather [hbm4b:s14+s4], $0x80, v6, vm0, $0xb8;
	[tilespmem:$0x10180] =	vst v63  }
0x9b: {  	s11 =	simm.s32 $0x5980;
	s13 =	rddreg [dreg:$0x10]  }
0x9c: {  	[tilespmem:s11], [sflag:$0x1] =	stream.indirect_vreg.gather [hbm4b:s13+s4], $0x80, v6, vm0, $0xb8;
	[tilespmem:$0x10180] =	vst v63  }
0x9d: {  	s20 =	simm.s32 $0x6180;
	s11 =	rddreg [dreg:$0x11]  }
0x9e: {  	[tilespmem:s20], [sflag:$0x1] =	stream.indirect_vreg.gather [hbm4b:s11+s4], $0x80, v6, vm0, $0xb8;
	[tilespmem:$0x10180] =	vst v63  }
0x9f: {  	s21 =	simm.s32 $0x6980;
	s9 =	rddreg [dreg:$0x12]  }
0xa0: {  	[tilespmem:s21], [sflag:$0x1] =	stream.indirect_vreg.gather [hbm4b:s9+s4], $0x80, v6, vm0, $0xb8;
	[tilespmem:$0x10180] =	vst v63  }
0xa1: {  	s22 =	simm.s32 $0x7180;
	s8 =	rddreg [dreg:$0x13]  }
0xa2: {  	[tilespmem:s22], [sflag:$0x1] =	stream.indirect_vreg.gather [hbm4b:s8+s4], $0x80, v6, vm0, $0xb8;
	[tilespmem:$0x10180] =	vst v63  }
0xa3: {  	s23 =	simm.s32 $0x7980;
	s24 =	simm.s32 $0x1;
	s7 =	rddreg [dreg:$0x14]  }
0xa4: {  	[tilespmem:s23], [sflag:$0x1] =	stream.indirect_vreg.gather [hbm4b:s7+s4], $0x80, v6, vm0, $0xb8;
	[tilespmem:$0x10180] =	vst v63  }
0xa5: {  	_ =	swait.ge [sflag:s24], $0x8000  }
0xa6: {  	[sflag:s24] =	ssyncset.done $0x0  }
0xa7: {  	[sflag:s24] =	ssyncadd.s32 $0xFFFF8000  }
0xa8: {  	v4 =	vld.msk [tilespmem:$0x80], $0xff;
	_ =	sdelay $0x4  }
0xa9: {  	v5 =	vshll.u32 v4, $0x6  }
0xaa: {  	v4 =	vand.u32 $0x7, v4;
	v5 =	vand.u32 $0xFFFFFE00, v5  }
0xab: {  	v4 =	vor.u32 v4, v5  }
0xac: {  	v4 =	vperm.xlane v4, v1;
	_ =	sdelay $0x1  }
0xad: {  	v4 =	vadd.s32 v2, v4;
	_ =	sdelay $0x3  }
0xae: {  	s25 =	simm.s32 $0x8180  }
0xaf: {  	[tilespmem:s25], [sflag:$0x2] =	stream.indirect_vreg.gather [hbm4b:s19+s4], $0x80, v4, vm0, $0xb8;
	[tilespmem:$0x10180] =	vst v63  }
0xb0: {  	s26 =	simm.s32 $0x8980;
	s25 =	sadd.s32 $0x100, s19  }
0xb1: {  	[tilespmem:s26], [sflag:$0x2] =	stream.indirect_vreg.gather [hbm4b:s25+s4], $0x80, v4, vm0, $0xb8;
	[tilespmem:$0x10180] =	vst v63  }
0xb2: {  	s0 =	sadd.s32 $0x200, s19;
	s29 =	simm.s32 $0x9180  }
0xb3: {  	[tilespmem:s29], [sflag:$0x2] =	stream.indirect_vreg.gather [hbm4b:s0+s4], $0x80, v4, vm0, $0xb8;
	[tilespmem:$0x10180] =	vst v63  }
0xb4: {  	s20 =	sadd.s32 $0x300, s19  }
0xb5: {  	[tilespmem:s12], [sflag:$0x2] =	stream.indirect_vreg.gather [hbm4b:s20+s4], $0x80, v4, vm0, $0xb8;
	[tilespmem:$0x10180] =	vst v63  }
0xb6: {  	s30 =	sadd.s32 $0x400, s19;
	s2 =	simm.s32 $0xA180  }
0xb7: {  	[tilespmem:s2], [sflag:$0x2] =	stream.indirect_vreg.gather [hbm4b:s30+s4], $0x80, v4, vm0, $0xb8;
	[tilespmem:$0x10180] =	vst v63  }
0xb8: {  	s3 =	simm.s32 $0xA980;
	s22 =	sadd.s32 $0x500, s19  }
0xb9: {  	[tilespmem:s3], [sflag:$0x2] =	stream.indirect_vreg.gather [hbm4b:s22+s4], $0x80, v4, vm0, $0xb8;
	[tilespmem:$0x10180] =	vst v63  }
0xba: {  	s5 =	simm.s32 $0xB180;
	s26 =	sadd.s32 $0x600, s19  }
0xbb: {  	[tilespmem:s5], [sflag:$0x2] =	stream.indirect_vreg.gather [hbm4b:s26+s4], $0x80, v4, vm0, $0xb8;
	[tilespmem:$0x10180] =	vst v63  }
0xbc: {  	s28 =	sadd.s32 $0x700, s19;
	s6 =	simm.s32 $0xB980  }
0xbd: {  	[tilespmem:s6], [sflag:$0x2] =	stream.indirect_vreg.gather [hbm4b:s28+s4], $0x80, v4, vm0, $0xb8;
	[tilespmem:$0x10180] =	vst v63  }
0xbe: {  	s10 =	simm.s32 $0xC180;
	s24 =	sadd.s32 $0x800, s19  }
0xbf: {  	[tilespmem:s10], [sflag:$0x2] =	stream.indirect_vreg.gather [hbm4b:s24+s4], $0x80, v4, vm0, $0xb8;
	[tilespmem:$0x10180] =	vst v63  }
0xc0: {  	s12 =	simm.s32 $0xC980;
	s5 =	sadd.s32 $0x900, s19  }
0xc1: {  	[tilespmem:s12], [sflag:$0x2] =	stream.indirect_vreg.gather [hbm4b:s5+s4], $0x80, v4, vm0, $0xb8;
	[tilespmem:$0x10180] =	vst v63  }
0xc2: {  	s21 =	simm.s32 $0xD180;
	s23 =	sadd.s32 $0xA00, s19  }
0xc3: {  	[tilespmem:s21], [sflag:$0x2] =	stream.indirect_vreg.gather [hbm4b:s23+s4], $0x80, v4, vm0, $0xb8;
	[tilespmem:$0x10180] =	vst v63  }
0xc4: {  	s3 =	sadd.s32 $0xB00, s19;
	s6 =	simm.s32 $0xD980  }
0xc5: {  	[tilespmem:s6], [sflag:$0x2] =	stream.indirect_vreg.gather [hbm4b:s3+s4], $0x80, v4, vm0, $0xb8;
	[tilespmem:$0x10180] =	vst v63  }
0xc6: {  	s1 =	sadd.s32 $0xC00, s19;
	s2 =	simm.s32 $0xE180  }
0xc7: {  	[tilespmem:s2], [sflag:$0x2] =	stream.indirect_vreg.gather [hbm4b:s1+s4], $0x80, v4, vm0, $0xb8;
	[tilespmem:$0x10180] =	vst v63  }
0xc8: {  	s10 =	simm.s32 $0xE980;
	s21 =	sadd.s32 $0xD00, s19  }
0xc9: {  	[tilespmem:s10], [sflag:$0x2] =	stream.indirect_vreg.gather [hbm4b:s21+s4], $0x80, v4, vm0, $0xb8;
	[tilespmem:$0x10180] =	vst v63  }
0xca: {  	s12 =	simm.s32 $0xF180;
	s10 =	sadd.s32 $0xE00, s19  }
0xcb: {  	[tilespmem:s12], [sflag:$0x2] =	stream.indirect_vreg.gather [hbm4b:s10+s4], $0x80, v4, vm0, $0xb8;
	[tilespmem:$0x10180] =	vst v63  }
0xcc: {  	s6 =	sadd.s32 $0xF00, s19;
	s2 =	simm.s32 $0xF980  }
0xcd: {  	[tilespmem:s2], [sflag:$0x2] =	stream.indirect_vreg.gather [hbm4b:s6+s4], $0x80, v4, vm0, $0xb8;
	[tilespmem:$0x10180] =	vst v63  }
0xce: {  	s29 =	simm.s32 $0x3;
	s12 =	rddreg [dreg:$0x15];
	s2 =	simm.s32 $0x180  }
0xcf: {  	[hbm4b:s12+s4] =	stream.linear.scatter [tilespmem:s2], [sflag:$0x3], $0x8000, $0x38;
	[tilespmem:$0x10180] =	vst v63  }
0xd0: {  	_ =	swait.ge [sflag:s29], $0x8000  }
0xd1: {  	[sflag:s29] =	ssyncset.done $0x0  }
0xd2: {  	s12 =	simm.s32 $0x2;
	[sflag:s29] =	ssyncadd.s32 $0xFFFF8000  }
0xd3: {  	_ =	swait.ge [sflag:s12], $0x8000  }
0xd4: {  	[sflag:s12] =	ssyncset.done $0x0  }
0xd5: {  	[sflag:s12] =	ssyncadd.s32 $0xFFFF8000  }
0xd6: {  	v4 =	vld.msk [tilespmem:$0x88], $0xff;
	_ =	sdelay $0x4  }
0xd7: {  	v5 =	vshll.u32 v4, $0x6  }
0xd8: {  	v4 =	vand.u32 $0x7, v4;
	v5 =	vand.u32 $0xFFFFFE00, v5  }
0xd9: {  	v4 =	vor.u32 v4, v5  }
0xda: {  	v4 =	vperm.xlane v4, v1;
	_ =	sdelay $0x1  }
0xdb: {  	v4 =	vadd.s32 v2, v4;
	_ =	sdelay $0x3  }
0xdc: {  	s12 =	rddreg [dreg:$0x1]  }
0xdd: {  	[tilespmem:s2], [sflag:$0x1] =	stream.indirect_vreg.gather [hbm4b:s12+s4], $0x80, v4, vm0, $0xb8;
	[tilespmem:$0x10180] =	vst v63  }
0xde: {  	s12 =	simm.s32 $0x980  }
0xdf: {  	[tilespmem:s12], [sflag:$0x1] =	stream.indirect_vreg.gather [hbm4b:s16+s4], $0x80, v4, vm0, $0xb8;
	[tilespmem:$0x10180] =	vst v63  }
0xe0: {  	s12 =	simm.s32 $0x1180  }
0xe1: {  	[tilespmem:s12], [sflag:$0x1] =	stream.indirect_vreg.gather [hbm4b:s17+s4], $0x80, v4, vm0, $0xb8;
	[tilespmem:$0x10180] =	vst v63  }
0xe2: {  	s12 =	simm.s32 $0x1980  }
0xe3: {  	[tilespmem:s12], [sflag:$0x1] =	stream.indirect_vreg.gather [hbm4b:s18+s4], $0x80, v4, vm0, $0xb8;
	[tilespmem:$0x10180] =	vst v63  }
0xe4: {  	s12 =	simm.s32 $0x2180  }
0xe5: {  	[tilespmem:s12], [sflag:$0x1] =	stream.indirect_vreg.gather [hbm4b:s15+s4], $0x80, v4, vm0, $0xb8;
	[tilespmem:$0x10180] =	vst v63  }
0xe6: {  	s2 =	rddreg [dreg:$0xa];
	s12 =	simm.s32 $0x2980  }
0xe7: {  	[tilespmem:s12], [sflag:$0x1] =	stream.indirect_vreg.gather [hbm4b:s2+s4], $0x80, v4, vm0, $0xb8;
	[tilespmem:$0x10180] =	vst v63  }
0xe8: {  	s12 =	rddreg [dreg:$0xb];
	s2 =	simm.s32 $0x3180  }
0xe9: {  	[tilespmem:s2], [sflag:$0x1] =	stream.indirect_vreg.gather [hbm4b:s12+s4], $0x80, v4, vm0, $0xb8;
	[tilespmem:$0x10180] =	vst v63  }
0xea: {  	s12 =	rddreg [dreg:$0xc];
	s2 =	simm.s32 $0x3980  }
0xeb: {  	[tilespmem:s2], [sflag:$0x1] =	stream.indirect_vreg.gather [hbm4b:s12+s4], $0x80, v4, vm0, $0xb8;
	[tilespmem:$0x10180] =	vst v63  }
0xec: {  	s12 =	rddreg [dreg:$0xd];
	s2 =	simm.s32 $0x4180  }
0xed: {  	[tilespmem:s2], [sflag:$0x1] =	stream.indirect_vreg.gather [hbm4b:s12+s4], $0x80, v4, vm0, $0xb8;
	[tilespmem:$0x10180] =	vst v63  }
0xee: {  	s12 =	simm.s32 $0x4980  }
0xef: {  	[tilespmem:s12], [sflag:$0x1] =	stream.indirect_vreg.gather [hbm4b:s31+s4], $0x80, v4, vm0, $0xb8;
	[tilespmem:$0x10180] =	vst v63  }
0xf0: {  	s31 =	simm.s32 $0x5180  }
0xf1: {  	[tilespmem:s31], [sflag:$0x1] =	stream.indirect_vreg.gather [hbm4b:s14+s4], $0x80, v4, vm0, $0xb8;
	[tilespmem:$0x10180] =	vst v63  }
0xf2: {  	s12 =	simm.s32 $0x5980  }
0xf3: {  	[tilespmem:s12], [sflag:$0x1] =	stream.indirect_vreg.gather [hbm4b:s13+s4], $0x80, v4, vm0, $0xb8;
	[tilespmem:$0x10180] =	vst v63  }
0xf4: {  	s14 =	simm.s32 $0x6180  }
0xf5: {  	[tilespmem:s14], [sflag:$0x1] =	stream.indirect_vreg.gather [hbm4b:s11+s4], $0x80, v4, vm0, $0xb8;
	[tilespmem:$0x10180] =	vst v63  }
0xf6: {  	s31 =	simm.s32 $0x6980  }
0xf7: {  	[tilespmem:s31], [sflag:$0x1] =	stream.indirect_vreg.gather [hbm4b:s9+s4], $0x80, v4, vm0, $0xb8;
	[tilespmem:$0x10180] =	vst v63  }
0xf8: {  	s11 =	simm.s32 $0x7180  }
0xf9: {  	[tilespmem:s11], [sflag:$0x1] =	stream.indirect_vreg.gather [hbm4b:s8+s4], $0x80, v4, vm0, $0xb8;
	[tilespmem:$0x10180] =	vst v63  }
0xfa: {  	s12 =	simm.s32 $0x7980  }
0xfb: {  	[tilespmem:s12], [sflag:$0x1] =	stream.indirect_vreg.gather [hbm4b:s7+s4], $0x80, v4, vm0, $0xb8;
	[tilespmem:$0x10180] =	vst v63  }
0xfc: {  	s13 =	rddreg [dreg:$0x16];
	s14 =	simm.s32 $0x8180  }
0xfd: {  	[hbm4b:s13+s4] =	stream.linear.scatter [tilespmem:s14], [sflag:$0x3], $0x8000, $0x38;
	[tilespmem:$0x10180] =	vst v63  }
0xfe: {  	_ =	swait.ge [sflag:s29], $0x8000  }
0xff: {  	[sflag:s29] =	ssyncset.done $0x0  }
0x100: {  	[sflag:s29] =	ssyncadd.s32 $0xFFFF8000;
	s29 =	simm.s32 $0x1  }
0x101: {  	_ =	swait.ge [sflag:s29], $0x8000  }
0x102: {  	[sflag:s29] =	ssyncset.done $0x0  }
0x103: {  	[sflag:s29] =	ssyncadd.s32 $0xFFFF8000  }
0x104: {  	v4 =	vld.msk [tilespmem:$0x88], $0xff;
	_ =	sdelay $0x4  }
0x105: {  	v5 =	vshll.u32 v4, $0x6  }
0x106: {  	v4 =	vand.u32 $0x7, v4;
	v5 =	vand.u32 $0xFFFFFE00, v5  }
0x107: {  	v4 =	vor.u32 v4, v5  }
0x108: {  	v4 =	vperm.xlane v4, v1;
	_ =	sdelay $0x1  }
0x109: {  	v4 =	vadd.s32 v2, v4;
	_ =	sdelay $0x3  }
0x10a: {  	s31 =	simm.s32 $0x8180  }
0x10b: {  	[tilespmem:s31], [sflag:$0x2] =	stream.indirect_vreg.gather [hbm4b:s19+s4], $0x80, v4, vm0, $0xb8;
	[tilespmem:$0x10180] =	vst v63  }
0x10c: {  	s2 =	simm.s32 $0x8980  }
0x10d: {  	[tilespmem:s2], [sflag:$0x2] =	stream.indirect_vreg.gather [hbm4b:s25+s4], $0x80, v4, vm0, $0xb8;
	[tilespmem:$0x10180] =	vst v63  }
0x10e: {  	s8 =	simm.s32 $0x9180  }
0x10f: {  	[tilespmem:s8], [sflag:$0x2] =	stream.indirect_vreg.gather [hbm4b:s0+s4], $0x80, v4, vm0, $0xb8;
	[tilespmem:$0x10180] =	vst v63  }
0x110: {  	s9 =	simm.s32 $0x9980  }
0x111: {  	[tilespmem:s9], [sflag:$0x2] =	stream.indirect_vreg.gather [hbm4b:s20+s4], $0x80, v4, vm0, $0xb8;
	[tilespmem:$0x10180] =	vst v63  }
0x112: {  	s11 =	simm.s32 $0xA180  }
0x113: {  	[tilespmem:s11], [sflag:$0x2] =	stream.indirect_vreg.gather [hbm4b:s30+s4], $0x80, v4, vm0, $0xb8;
	[tilespmem:$0x10180] =	vst v63  }
0x114: {  	s12 =	simm.s32 $0xA980  }
0x115: {  	[tilespmem:s12], [sflag:$0x2] =	stream.indirect_vreg.gather [hbm4b:s22+s4], $0x80, v4, vm0, $0xb8;
	[tilespmem:$0x10180] =	vst v63  }
0x116: {  	s13 =	simm.s32 $0xB180  }
0x117: {  	[tilespmem:s13], [sflag:$0x2] =	stream.indirect_vreg.gather [hbm4b:s26+s4], $0x80, v4, vm0, $0xb8;
	[tilespmem:$0x10180] =	vst v63  }
0x118: {  	s14 =	simm.s32 $0xB980  }
0x119: {  	[tilespmem:s14], [sflag:$0x2] =	stream.indirect_vreg.gather [hbm4b:s28+s4], $0x80, v4, vm0, $0xb8;
	[tilespmem:$0x10180] =	vst v63  }
0x11a: {  	[smem:$0x7E1] =	sst s20;
	s19 =	simm.s32 $0xC180  }
0x11b: {  	[tilespmem:s19], [sflag:$0x2] =	stream.indirect_vreg.gather [hbm4b:s24+s4], $0x80, v4, vm0, $0xb8;
	[tilespmem:$0x10180] =	vst v63  }
0x11c: {  	s20 =	smov.u32 s6;
	s6 =	smov.u32 s22;
	s22 =	simm.s32 $0xC980  }
0x11d: {  	[tilespmem:s22], [sflag:$0x2] =	stream.indirect_vreg.gather [hbm4b:s5+s4], $0x80, v4, vm0, $0xb8;
	[tilespmem:$0x10180] =	vst v63  }
0x11e: {  	[smem:$0x7E0] =	sst s0;
	s31 =	simm.s32 $0xD180  }
0x11f: {  	[tilespmem:s31], [sflag:$0x2] =	stream.indirect_vreg.gather [hbm4b:s23+s4], $0x80, v4, vm0, $0xb8;
	[tilespmem:$0x10180] =	vst v63  }
0x120: {  	[smem:$0x7E2] =	sst s30;
	s2 =	simm.s32 $0xD980  }
0x121: {  	[tilespmem:s2], [sflag:$0x2] =	stream.indirect_vreg.gather [hbm4b:s3+s4], $0x80, v4, vm0, $0xb8;
	[tilespmem:$0x10180] =	vst v63  }
0x122: {  	[smem:$0x7E3] =	sst s24;
	s24 =	smov.u32 s5;
	s5 =	simm.s32 $0xE180  }
0x123: {  	[tilespmem:s5], [sflag:$0x2] =	stream.indirect_vreg.gather [hbm4b:s1+s4], $0x80, v4, vm0, $0xb8;
	[tilespmem:$0x10180] =	vst v63  }
0x124: {  	s7 =	simm.s32 $0xE980;
	[smem:$0x7E4] =	sst s23  }
0x125: {  	[tilespmem:s7], [sflag:$0x2] =	stream.indirect_vreg.gather [hbm4b:s21+s4], $0x80, v4, vm0, $0xb8;
	[tilespmem:$0x10180] =	vst v63  }
0x126: {  	s8 =	simm.s32 $0xF180;
	s9 =	simm.s32 $0xF980;
	s30 =	smov.u32 s26  }
0x127: {  	[tilespmem:s8], [sflag:$0x2] =	stream.indirect_vreg.gather [hbm4b:s10+s4], $0x80, v4, vm0, $0xb8;
	[tilespmem:$0x10180] =	vst v63  }
0x128: {  	s11 =	simm.s32 $0x180;
	s26 =	smov.u32 s28;
	s28 =	simm.s32 $0x3  }
0x129: {  	[tilespmem:s9], [sflag:$0x2] =	stream.indirect_vreg.gather [hbm4b:s20+s4], $0x80, v4, vm0, $0xb8;
	[tilespmem:$0x10180] =	vst v63  }
0x12a: {  	s22 =	smov.u32 s21;
	s21 =	smov.u32 s10;
	s10 =	rddreg [dreg:$0x17]  }
0x12b: {  	[hbm4b:s10+s4] =	stream.linear.scatter [tilespmem:s11], [sflag:$0x3], $0x8000, $0x38;
	[tilespmem:$0x10180] =	vst v63  }
0x12c: {  	_ =	swait.ge [sflag:s28], $0x8000  }
0x12d: {  	[sflag:s28] =	ssyncset.done $0x0  }
0x12e: {  	s13 =	simm.s32 $0x2;
	[sflag:s28] =	ssyncadd.s32 $0xFFFF8000  }
0x12f: {  	_ =	swait.ge [sflag:s13], $0x8000  }
0x130: {  	s14 =	simm.s32 $0x2;
	[sflag:s13] =	ssyncset.done $0x0  }
0x131: {  	[sflag:s14] =	ssyncadd.s32 $0xFFFF8000  }
0x132: {  	v4 =	vld.msk [tilespmem:$0x100], $0xff;
	_ =	sdelay $0x4  }
0x133: {  	v5 =	vshll.u32 v4, $0x6  }
0x134: {  	v4 =	vand.u32 $0x7, v4;
	v5 =	vand.u32 $0xFFFFFE00, v5  }
0x135: {  	v4 =	vor.u32 v4, v5  }
0x136: {  	v4 =	vperm.xlane v4, v1;
	_ =	sdelay $0x1  }
0x137: {  	v4 =	vadd.s32 v2, v4;
	_ =	sdelay $0x3  }
0x138: {  	s12 =	simm.s32 @p0 $0x0;
	s13 =	simm.s32 @p0 $0x180;
	s0 =	rddreg [dreg:$0x1]  }
0x139: {  	[tilespmem:s13], [sflag:$0x1] =	stream.indirect_vreg.gather @p0 [hbm4b:s0+s12], $0x80, v4, vm1, $0xb8;
	[tilespmem:$0x10180] =	vst v63  }
0x13a: {  	s13 =	simm.s32 @p0 $0x980  }
0x13b: {  	[tilespmem:s13], [sflag:$0x1] =	stream.indirect_vreg.gather @p0 [hbm4b:s16+s12], $0x80, v4, vm1, $0xb8;
	[tilespmem:$0x10180] =	vst v63  }
0x13c: {  	s13 =	simm.s32 @p0 $0x1180  }
0x13d: {  	[tilespmem:s13], [sflag:$0x1] =	stream.indirect_vreg.gather @p0 [hbm4b:s17+s12], $0x80, v4, vm1, $0xb8;
	[tilespmem:$0x10180] =	vst v63  }
0x13e: {  	s13 =	simm.s32 @p0 $0x1980  }
0x13f: {  	[tilespmem:s13], [sflag:$0x1] =	stream.indirect_vreg.gather @p0 [hbm4b:s18+s12], $0x80, v4, vm1, $0xb8;
	[tilespmem:$0x10180] =	vst v63  }
0x140: {  	s31 =	sld [smem:$0x7EF];
	s13 =	simm.s32 @p0 $0x2180  }
0x141: {  	[tilespmem:s13], [sflag:$0x1] =	stream.indirect_vreg.gather @p0 [hbm4b:s15+s12], $0x80, v4, vm1, $0xb8;
	[tilespmem:$0x10180] =	vst v63  }
0x142: {  	s19 =	smov.u32 s1;
	s1 =	rddreg [dreg:$0xa];
	s13 =	simm.s32 @p0 $0x2980  }
0x143: {  	[tilespmem:s13], [sflag:$0x1] =	stream.indirect_vreg.gather @p0 [hbm4b:s1+s12], $0x80, v4, vm1, $0xb8;
	[tilespmem:$0x10180] =	vst v63  }
0x144: {  	s13 =	simm.s32 @p0 $0x3180;
	s1 =	rddreg [dreg:$0xb]  }
0x145: {  	[tilespmem:s13], [sflag:$0x1] =	stream.indirect_vreg.gather @p0 [hbm4b:s1+s12], $0x80, v4, vm1, $0xb8;
	[tilespmem:$0x10180] =	vst v63  }
0x146: {  	s13 =	simm.s32 @p0 $0x3980;
	s1 =	rddreg [dreg:$0xc]  }
0x147: {  	[tilespmem:s13], [sflag:$0x1] =	stream.indirect_vreg.gather @p0 [hbm4b:s1+s12], $0x80, v4, vm1, $0xb8;
	[tilespmem:$0x10180] =	vst v63  }
0x148: {  	s13 =	simm.s32 @p0 $0x4180;
	s1 =	rddreg [dreg:$0xd]  }
0x149: {  	[tilespmem:s13], [sflag:$0x1] =	stream.indirect_vreg.gather @p0 [hbm4b:s1+s12], $0x80, v4, vm1, $0xb8;
	[tilespmem:$0x10180] =	vst v63  }
0x14a: {  	s13 =	simm.s32 @p0 $0x4980;
	s1 =	rddreg [dreg:$0xe]  }
0x14b: {  	[tilespmem:s13], [sflag:$0x1] =	stream.indirect_vreg.gather @p0 [hbm4b:s1+s12], $0x80, v4, vm1, $0xb8;
	[tilespmem:$0x10180] =	vst v63  }
0x14c: {  	s13 =	simm.s32 @p0 $0x5180;
	s1 =	rddreg [dreg:$0xf]  }
0x14d: {  	[tilespmem:s13], [sflag:$0x1] =	stream.indirect_vreg.gather @p0 [hbm4b:s1+s12], $0x80, v4, vm1, $0xb8;
	[tilespmem:$0x10180] =	vst v63  }
0x14e: {  	s13 =	simm.s32 @p0 $0x5980;
	s1 =	rddreg [dreg:$0x10]  }
0x14f: {  	[tilespmem:s13], [sflag:$0x1] =	stream.indirect_vreg.gather @p0 [hbm4b:s1+s12], $0x80, v4, vm1, $0xb8;
	[tilespmem:$0x10180] =	vst v63  }
0x150: {  	s13 =	simm.s32 @p0 $0x6180;
	s1 =	rddreg [dreg:$0x11]  }
0x151: {  	[tilespmem:s13], [sflag:$0x1] =	stream.indirect_vreg.gather @p0 [hbm4b:s1+s12], $0x80, v4, vm1, $0xb8;
	[tilespmem:$0x10180] =	vst v63  }
0x152: {  	s13 =	simm.s32 @p0 $0x6980;
	s1 =	rddreg [dreg:$0x12]  }
0x153: {  	[tilespmem:s13], [sflag:$0x1] =	stream.indirect_vreg.gather @p0 [hbm4b:s1+s12], $0x80, v4, vm1, $0xb8;
	[tilespmem:$0x10180] =	vst v63  }
0x154: {  	s13 =	simm.s32 @p0 $0x7180;
	s1 =	rddreg [dreg:$0x13]  }
0x155: {  	[tilespmem:s13], [sflag:$0x1] =	stream.indirect_vreg.gather @p0 [hbm4b:s1+s12], $0x80, v4, vm1, $0xb8;
	[tilespmem:$0x10180] =	vst v63  }
0x156: {  	s12 =	simm.s32 @!p0 $0x0;
	s13 =	simm.s32 @!p0 $0x180;
	s1 =	rddreg [dreg:$0x2]  }
0x157: {  	[tilespmem:s13], [sflag:$0x1] =	stream.indirect_vreg.gather @!p0 [hbm4b:s1+s12], $0x80, v4, vm2, $0xb8;
	[tilespmem:$0x10180] =	vst v63  }
0x158: {  	s14 =	sld [smem:$0x7F0];
	s13 =	simm.s32 @!p0 $0x980  }
0x159: {  	[tilespmem:s13], [sflag:$0x1] =	stream.indirect_vreg.gather @!p0 [hbm4b:s31+s12], $0x80, v4, vm2, $0xb8;
	[tilespmem:$0x10180] =	vst v63  }
0x15a: {  	s0 =	sld [smem:$0x7F1];
	s13 =	simm.s32 @!p0 $0x1180  }
0x15b: {  	[tilespmem:s13], [sflag:$0x1] =	stream.indirect_vreg.gather @!p0 [hbm4b:s14+s12], $0x80, v4, vm2, $0xb8;
	[tilespmem:$0x10180] =	vst v63  }
0x15c: {  	s8 =	sld [smem:$0x7F2];
	s13 =	simm.s32 @!p0 $0x1980  }
0x15d: {  	[tilespmem:s13], [sflag:$0x1] =	stream.indirect_vreg.gather @!p0 [hbm4b:s0+s12], $0x80, v4, vm2, $0xb8;
	[tilespmem:$0x10180] =	vst v63  }
0x15e: {  	s10 =	sld [smem:$0x7F3];
	s13 =	simm.s32 @!p0 $0x2180  }
0x15f: {  	[tilespmem:s13], [sflag:$0x1] =	stream.indirect_vreg.gather @!p0 [hbm4b:s8+s12], $0x80, v4, vm2, $0xb8;
	[tilespmem:$0x10180] =	vst v63  }
0x160: {  	s11 =	rddreg [dreg:$0x1d];
	s13 =	simm.s32 @!p0 $0x2980  }
0x161: {  	[tilespmem:s13], [sflag:$0x1] =	stream.indirect_vreg.gather @!p0 [hbm4b:s10+s12], $0x80, v4, vm2, $0xb8;
	[tilespmem:$0x10180] =	vst v63  }
0x162: {  	s7 =	sld [smem:$0x7F4];
	s13 =	simm.s32 @!p0 $0x3180  }
0x163: {  	[tilespmem:s13], [sflag:$0x1] =	stream.indirect_vreg.gather @!p0 [hbm4b:s11+s12], $0x80, v4, vm2, $0xb8;
	[tilespmem:$0x10180] =	vst v63  }
0x164: {  	s16 =	rddreg [dreg:$0x19];
	s13 =	simm.s32 @!p0 $0x3980  }
0x165: {  	[tilespmem:s13], [sflag:$0x1] =	stream.indirect_vreg.gather @!p0 [hbm4b:s7+s12], $0x80, v4, vm2, $0xb8;
	[tilespmem:$0x10180] =	vst v63  }
0x166: {  	s17 =	sld [smem:$0x7F5];
	s13 =	simm.s32 @!p0 $0x4180  }
0x167: {  	[tilespmem:s13], [sflag:$0x1] =	stream.indirect_vreg.gather @!p0 [hbm4b:s16+s12], $0x80, v4, vm2, $0xb8;
	[tilespmem:$0x10180] =	vst v63  }
0x168: {  	s18 =	sld [smem:$0x7F6];
	s13 =	simm.s32 @!p0 $0x4980  }
0x169: {  	[tilespmem:s13], [sflag:$0x1] =	stream.indirect_vreg.gather @!p0 [hbm4b:s17+s12], $0x80, v4, vm2, $0xb8;
	[tilespmem:$0x10180] =	vst v63  }
0x16a: {  	s9 =	sld [smem:$0x7F7];
	s13 =	simm.s32 @!p0 $0x5180  }
0x16b: {  	[tilespmem:s13], [sflag:$0x1] =	stream.indirect_vreg.gather @!p0 [hbm4b:s18+s12], $0x80, v4, vm2, $0xb8;
	[tilespmem:$0x10180] =	vst v63  }
0x16c: {  	s23 =	smov.u32 s3;
	s3 =	rddreg [dreg:$0x1a];
	s13 =	simm.s32 @!p0 $0x5980  }
0x16d: {  	[tilespmem:s13], [sflag:$0x1] =	stream.indirect_vreg.gather @!p0 [hbm4b:s3+s12], $0x80, v4, vm2, $0xb8;
	[tilespmem:$0x10180] =	vst v63  }
0x16e: {  	s5 =	rddreg [dreg:$0x1b];
	s13 =	simm.s32 @!p0 $0x6180  }
0x16f: {  	[tilespmem:s13], [sflag:$0x1] =	stream.indirect_vreg.gather @!p0 [hbm4b:s5+s12], $0x80, v4, vm2, $0xb8;
	[tilespmem:$0x10180] =	vst v63  }
0x170: {  	s15 =	rddreg [dreg:$0x1c];
	s13 =	simm.s32 @!p0 $0x6980  }
0x171: {  	[tilespmem:s13], [sflag:$0x1] =	stream.indirect_vreg.gather @!p0 [hbm4b:s15+s12], $0x80, v4, vm2, $0xb8;
	[tilespmem:$0x10180] =	vst v63  }
0x172: {  	s0 =	rddreg [dreg:$0x14];
	s13 =	simm.s32 @!p0 $0x7180  }
0x173: {  	[tilespmem:s13], [sflag:$0x1] =	stream.indirect_vreg.gather @!p0 [hbm4b:s9+s12], $0x80, v4, vm2, $0xb8;
	[tilespmem:$0x10180] =	vst v63  }
0x174: {  	s12 =	rddreg [dreg:$0x1e]  }
0x175: {  	s18 =	simm.s32 $0x7980;
	s12 =	smov.u32 @p0 s0  }
0x176: {  	[tilespmem:s18], [sflag:$0x1] =	stream.indirect_vreg.gather [hbm4b:s12+s4], $0x80, v4, vm0, $0xb8;
	[tilespmem:$0x10180] =	vst v63  }
0x177: {  	s1 =	simm.s32 $0x8180;
	s31 =	rddreg [dreg:$0x1f]  }
0x178: {  	[hbm4b:s31+s4] =	stream.linear.scatter [tilespmem:s1], [sflag:$0x3], $0x8000, $0x38;
	[tilespmem:$0x10180] =	vst v63  }
0x179: {  	_ =	swait.ge [sflag:s28], $0x8000  }
0x17a: {  	[sflag:s28] =	ssyncset.done $0x0  }
0x17b: {  	s29 =	simm.s32 $0x1;
	[sflag:s28] =	ssyncadd.s32 $0xFFFF8000  }
0x17c: {  	_ =	swait.ge [sflag:s29], $0x8000  }
0x17d: {  	[smem:$0x7E5] =	sst s25  }
0x17e: {  	[smem:$0x7E6] =	sst s6  }
0x17f: {  	[smem:$0x7E7] =	sst s30  }
0x180: {  	[smem:$0x7E8] =	sst s26  }
0x181: {  	[smem:$0x7E9] =	sst s24  }
.Ltmp2:
0x182: {  	[smem:$0x7EA] =	sst s23;
	(pc) =	sbr.rel @p0 .LBB2_3-.Ltmp2, $4  }
0x183: {  	[smem:$0x7EB] =	sst s19  }
0x184: {  	[smem:$0x7EC] =	sst s22  }
0x185: {  	[sflag:s29] =	ssyncset.done $0x0;
	[smem:$0x7ED] =	sst s21  }
0x186: {  	[smem:$0x7EE] =	sst s20;
	[sflag:s29] =	ssyncadd.s32 $0xFFFF8000  }
0x187: {  	v4 =	vld.msk [tilespmem:$0x100], $0xff;
	_ =	sdelay $0x4  }
0x188: {  	v5 =	vshll.u32 v4, $0x6  }
0x189: {  	v4 =	vand.u32 $0x7, v4;
	v5 =	vand.u32 $0xFFFFFE00, v5  }
0x18a: {  	v4 =	vor.u32 v4, v5  }
0x18b: {  	v4 =	vperm.xlane v4, v1;
	_ =	sdelay $0x1  }
0x18c: {  	v4 =	vadd.s32 v2, v4;
	_ =	sdelay $0x1  }
0x18d: {  	s3 =	sld [smem:$0x7F8];
	_ =	sdelay $0x2  }
0x18e: {  	[tilespmem:s1], [sflag:$0x2] =	stream.indirect_vreg.gather [hbm4b:s3+s4], $0x80, v4, vm0, $0xb8;
	[tilespmem:$0x10180] =	vst v63  }
0x18f: {  	s0 =	simm.s32 $0x8980;
	s13 =	sadd.s32 $0x100, s3  }
0x190: {  	[tilespmem:s0], [sflag:$0x2] =	stream.indirect_vreg.gather [hbm4b:s13+s4], $0x80, v4, vm0, $0xb8;
	[tilespmem:$0x10180] =	vst v63  }
0x191: {  	s15 =	simm.s32 $0x9180;
	s14 =	sadd.s32 $0x200, s3  }
0x192: {  	[tilespmem:s15], [sflag:$0x2] =	stream.indirect_vreg.gather [hbm4b:s14+s4], $0x80, v4, vm0, $0xb8;
	[tilespmem:$0x10180] =	vst v63  }
0x193: {  	s17 =	simm.s32 $0x9980;
	s16 =	sadd.s32 $0x300, s3  }
0x194: {  	[tilespmem:s17], [sflag:$0x2] =	stream.indirect_vreg.gather [hbm4b:s16+s4], $0x80, v4, vm0, $0xb8;
	[tilespmem:$0x10180] =	vst v63  }
0x195: {  	s19 =	simm.s32 $0xA180;
	s10 =	simm.s32 $0xA980;
	s18 =	sadd.s32 $0x400, s3  }
0x196: {  	[tilespmem:s19], [sflag:$0x2] =	stream.indirect_vreg.gather [hbm4b:s18+s4], $0x80, v4, vm0, $0xb8;
	[tilespmem:$0x10180] =	vst v63  }
0x197: {  	s21 =	simm.s32 $0xA980;
	s25 =	simm.s32 $0xB180;
	s20 =	sadd.s32 $0x500, s3  }
0x198: {  	[tilespmem:s21], [sflag:$0x2] =	stream.indirect_vreg.gather [hbm4b:s20+s4], $0x80, v4, vm0, $0xb8;
	[tilespmem:$0x10180] =	vst v63  }
0x199: {  	s23 =	simm.s32 $0xB180;
	s8 =	simm.s32 $0xB980;
	s22 =	sadd.s32 $0x600, s3  }
0x19a: {  	[tilespmem:s23], [sflag:$0x2] =	stream.indirect_vreg.gather [hbm4b:s22+s4], $0x80, v4, vm0, $0xb8;
	[tilespmem:$0x10180] =	vst v63  }
0x19b: {  	s26 =	simm.s32 $0xB980;
	s30 =	simm.s32 $0xC180;
	s24 =	sadd.s32 $0x700, s3  }
0x19c: {  	[tilespmem:s26], [sflag:$0x2] =	stream.indirect_vreg.gather [hbm4b:s24+s4], $0x80, v4, vm0, $0xb8;
	[tilespmem:$0x10180] =	vst v63  }
0x19d: {  	s11 =	simm.s32 $0xC980;
	s2 =	simm.s32 $0xC980;
	s29 =	sadd.s32 $0x800, s3  }
0x19e: {  	[tilespmem:s30], [sflag:$0x2] =	stream.indirect_vreg.gather [hbm4b:s29+s4], $0x80, v4, vm0, $0xb8;
	[tilespmem:$0x10180] =	vst v63  }
0x19f: {  	s7 =	simm.s32 $0xD180;
	s6 =	simm.s32 $0xD180;
	s1 =	sadd.s32 $0x900, s3  }
0x1a0: {  	[tilespmem:s2], [sflag:$0x2] =	stream.indirect_vreg.gather [hbm4b:s1+s4], $0x80, v4, vm0, $0xb8;
	[tilespmem:$0x10180] =	vst v63  }
0x1a1: {  	s31 =	simm.s32 $0x9180;
	s5 =	sadd.s32 $0xA00, s3;
	s9 =	sadd.s32 $0xB00, s3  }
0x1a2: {  	[tilespmem:s6], [sflag:$0x2] =	stream.indirect_vreg.gather [hbm4b:s5+s4], $0x80, v4, vm0, $0xb8;
	[tilespmem:$0x10180] =	vst v63  }
0x1a3: {  	s14 =	simm.s32 $0xD980;
	s15 =	sadd.s32 $0xC00, s3;
	s17 =	simm.s32 $0xC180  }
0x1a4: {  	[tilespmem:s14], [sflag:$0x2] =	stream.indirect_vreg.gather [hbm4b:s9+s4], $0x80, v4, vm0, $0xb8;
	[tilespmem:$0x10180] =	vst v63  }
0x1a5: {  	s16 =	simm.s32 $0xE180;
	s18 =	simm.s32 $0xD980;
	s19 =	simm.s32 $0xE180  }
0x1a6: {  	[tilespmem:s19], [sflag:$0x2] =	stream.indirect_vreg.gather [hbm4b:s15+s4], $0x80, v4, vm0, $0xb8;
	[tilespmem:$0x10180] =	vst v63  }
0x1a7: {  	s20 =	sadd.s32 $0xD00, s3;
	s21 =	simm.s32 $0xE980;
	s23 =	simm.s32 $0xE980  }
0x1a8: {  	[tilespmem:s21], [sflag:$0x2] =	stream.indirect_vreg.gather [hbm4b:s20+s4], $0x80, v4, vm0, $0xb8;
	[tilespmem:$0x10180] =	vst v63  }
.Ltmp3:
0x1a9: {  	s22 =	sadd.s32 $0xE00, s3;
	s24 =	simm.s32 $0xF180;
	(pc) =	sbr.rel .LBB2_4-.Ltmp3, $4  }
0x1aa: {  	s26 =	simm.s32 $0xF180;
	s29 =	sadd.s32 $0xF00, s3;
	s30 =	simm.s32 $0xF980  }
0x1ab: {  	[tilespmem:s26], [sflag:$0x2] =	stream.indirect_vreg.gather [hbm4b:s22+s4], $0x80, v4, vm0, $0xb8;
	[tilespmem:$0x10180] =	vst v63  }
0x1ac: {  	s6 =	simm.s32 $0x8980;
	s9 =	simm.s32 $0xF980;
	s19 =	sld [smem:$0x7FD]  }
0x1ad: {  	[tilespmem:s30], [sflag:$0x2] =	stream.indirect_vreg.gather [hbm4b:s29+s4], $0x80, v4, vm0, $0xb8;
	[tilespmem:$0x10180] =	vst v63  }
.LBB2_3:
0x1ae: {  	v4 =	vld.msk [tilespmem:$0x100], $0xff;
	_ =	sdelay $0x4  }
0x1af: {  	v5 =	vshll.u32 v4, $0x6  }
0x1b0: {  	v4 =	vand.u32 $0x7, v4;
	v5 =	vand.u32 $0xFFFFFE00, v5  }
0x1b1: {  	v4 =	vor.u32 v4, v5  }
0x1b2: {  	v4 =	vperm.xlane v4, v1;
	_ =	sdelay $0x1  }
0x1b3: {  	v4 =	vadd.s32 v2, v4;
	_ =	sdelay $0x1  }
0x1b4: {  	s2 =	sld [smem:$0x7FD];
	_ =	sdelay $0x2  }
0x1b5: {  	[tilespmem:s1], [sflag:$0x2] =	stream.indirect_vreg.gather [hbm4b:s2+s4], $0x80, v4, vm0, $0xb8;
	[tilespmem:$0x10180] =	vst v63  }
0x1b6: {  	s0 =	simm.s32 $0x8980;
	s17 =	sld [smem:$0x7E0]  }
0x1b7: {  	[tilespmem:s0], [sflag:$0x2] =	stream.indirect_vreg.gather [hbm4b:s25+s4], $0x80, v4, vm0, $0xb8;
	[tilespmem:$0x10180] =	vst v63  }
0x1b8: {  	s18 =	simm.s32 $0x9180;
	s25 =	sld [smem:$0x7E1]  }
0x1b9: {  	[tilespmem:s18], [sflag:$0x2] =	stream.indirect_vreg.gather [hbm4b:s17+s4], $0x80, v4, vm0, $0xb8;
	[tilespmem:$0x10180] =	vst v63  }
0x1ba: {  	s29 =	simm.s32 $0x9980;
	s3 =	sld [smem:$0x7E2]  }
0x1bb: {  	[tilespmem:s29], [sflag:$0x2] =	stream.indirect_vreg.gather [hbm4b:s25+s4], $0x80, v4, vm0, $0xb8;
	[tilespmem:$0x10180] =	vst v63  }
0x1bc: {  	s5 =	simm.s32 $0xA180  }
0x1bd: {  	[tilespmem:s5], [sflag:$0x2] =	stream.indirect_vreg.gather [hbm4b:s3+s4], $0x80, v4, vm0, $0xb8;
	[tilespmem:$0x10180] =	vst v63  }
0x1be: {  	s7 =	simm.s32 $0xA980  }
0x1bf: {  	[tilespmem:s7], [sflag:$0x2] =	stream.indirect_vreg.gather [hbm4b:s6+s4], $0x80, v4, vm0, $0xb8;
	[tilespmem:$0x10180] =	vst v63  }
0x1c0: {  	s8 =	simm.s32 $0xB180  }
0x1c1: {  	[tilespmem:s8], [sflag:$0x2] =	stream.indirect_vreg.gather [hbm4b:s30+s4], $0x80, v4, vm0, $0xb8;
	[tilespmem:$0x10180] =	vst v63  }
0x1c2: {  	s9 =	simm.s32 $0xB980;
	s29 =	sld [smem:$0x7E3]  }
0x1c3: {  	[tilespmem:s9], [sflag:$0x2] =	stream.indirect_vreg.gather [hbm4b:s26+s4], $0x80, v4, vm0, $0xb8;
	[tilespmem:$0x10180] =	vst v63  }
0x1c4: {  	s10 =	simm.s32 $0xA980;
	s11 =	simm.s32 $0xC180  }
0x1c5: {  	[tilespmem:s11], [sflag:$0x2] =	stream.indirect_vreg.gather [hbm4b:s29+s4], $0x80, v4, vm0, $0xb8;
	[tilespmem:$0x10180] =	vst v63  }
0x1c6: {  	s13 =	simm.s32 $0xC980;
	s14 =	sld [smem:$0x7E4];
	s15 =	simm.s32 $0xD180  }
0x1c7: {  	[tilespmem:s13], [sflag:$0x2] =	stream.indirect_vreg.gather [hbm4b:s24+s4], $0x80, v4, vm0, $0xb8;
	[tilespmem:$0x10180] =	vst v63  }
0x1c8: {  	s16 =	simm.s32 $0xD980;
	s31 =	simm.s32 $0x9180;
	s17 =	simm.s32 $0xC180  }
0x1c9: {  	[tilespmem:s15], [sflag:$0x2] =	stream.indirect_vreg.gather [hbm4b:s14+s4], $0x80, v4, vm0, $0xb8;
	[tilespmem:$0x10180] =	vst v63  }
0x1ca: {  	s18 =	simm.s32 $0xD980;
	s25 =	simm.s32 $0xB180;
	s7 =	simm.s32 $0xD180  }
0x1cb: {  	[tilespmem:s16], [sflag:$0x2] =	stream.indirect_vreg.gather [hbm4b:s23+s4], $0x80, v4, vm0, $0xb8;
	[tilespmem:$0x10180] =	vst v63  }
0x1cc: {  	s6 =	simm.s32 $0x8980;
	s8 =	simm.s32 $0xB980;
	s24 =	simm.s32 $0xE180  }
0x1cd: {  	[tilespmem:s24], [sflag:$0x2] =	stream.indirect_vreg.gather [hbm4b:s19+s4], $0x80, v4, vm0, $0xb8;
	[tilespmem:$0x10180] =	vst v63  }
0x1ce: {  	s30 =	simm.s32 $0xF980;
	s26 =	simm.s32 $0xE980;
	s9 =	simm.s32 $0xF980  }
0x1cf: {  	[tilespmem:s26], [sflag:$0x2] =	stream.indirect_vreg.gather [hbm4b:s22+s4], $0x80, v4, vm0, $0xb8;
	[tilespmem:$0x10180] =	vst v63  }
0x1d0: {  	s11 =	simm.s32 $0xC980;
	s29 =	simm.s32 $0xF180;
	s16 =	simm.s32 $0xE180  }
0x1d1: {  	[tilespmem:s29], [sflag:$0x2] =	stream.indirect_vreg.gather [hbm4b:s21+s4], $0x80, v4, vm0, $0xb8;
	[tilespmem:$0x10180] =	vst v63  }
0x1d2: {  	s23 =	simm.s32 $0xE980;
	s24 =	simm.s32 $0xF180;
	s19 =	smov.u32 s2  }
0x1d3: {  	[tilespmem:s30], [sflag:$0x2] =	stream.indirect_vreg.gather [hbm4b:s20+s4], $0x80, v4, vm0, $0xb8;
	[tilespmem:$0x10180] =	vst v63  }
.LBB2_4:
0x1d4: {  	s0 =	sld [smem:$0x7F9];
	_ =	sdelay $0x1  }
0x1d5: {  	s20 =	simm.s32 $0x180  }
0x1d6: {  	[hbm4b:s0+s4] =	stream.linear.scatter [tilespmem:s20], [sflag:$0x3], $0x8000, $0x38;
	[tilespmem:$0x10180] =	vst v63  }
0x1d7: {  	_ =	swait.ge [sflag:s28], $0x8000  }
0x1d8: {  	[sflag:s28] =	ssyncset.done $0x0  }
0x1d9: {  	s22 =	simm.s32 $0x2;
	[sflag:s28] =	ssyncadd.s32 $0xFFFF8000  }
0x1da: {  	_ =	swait.ge [sflag:s22], $0x8000  }
0x1db: {  	[sflag:s22] =	ssyncset.done $0x0  }
0x1dc: {  	[sflag:s22] =	ssyncadd.s32 $0xFFFF8000  }
0x1dd: {  	v4 =	vld.msk [tilespmem:$0x108], $0xff;
	_ =	sdelay $0x4  }
0x1de: {  	v5 =	vshll.u32 v4, $0x6  }
0x1df: {  	v4 =	vand.u32 $0x7, v4;
	v5 =	vand.u32 $0xFFFFFE00, v5  }
0x1e0: {  	v4 =	vor.u32 v4, v5  }
0x1e1: {  	v4 =	vperm.xlane v4, v1;
	_ =	sdelay $0x1  }
0x1e2: {  	v4 =	vadd.s32 v2, v4;
	_ =	sdelay $0x2  }
0x1e3: {  	s5 =	rddreg [dreg:$0xa]  }
0x1e4: {  	s13 =	simm.s32 @p0 $0x0;
	s14 =	simm.s32 @p0 $0x180;
	s15 =	rddreg [dreg:$0x1]  }
0x1e5: {  	[tilespmem:s14], [sflag:$0x1] =	stream.indirect_vreg.gather @p0 [hbm4b:s15+s13], $0x80, v4, vm1, $0xb8;
	[tilespmem:$0x10180] =	vst v63  }
0x1e6: {  	s14 =	simm.s32 @p0 $0x980;
	s15 =	rddreg [dreg:$0x6]  }
0x1e7: {  	[tilespmem:s14], [sflag:$0x1] =	stream.indirect_vreg.gather @p0 [hbm4b:s15+s13], $0x80, v4, vm1, $0xb8;
	[tilespmem:$0x10180] =	vst v63  }
0x1e8: {  	s14 =	simm.s32 @p0 $0x1180;
	s15 =	rddreg [dreg:$0x7]  }
0x1e9: {  	[tilespmem:s14], [sflag:$0x1] =	stream.indirect_vreg.gather @p0 [hbm4b:s15+s13], $0x80, v4, vm1, $0xb8;
	[tilespmem:$0x10180] =	vst v63  }
0x1ea: {  	s14 =	simm.s32 @p0 $0x1980;
	s15 =	rddreg [dreg:$0x8]  }
0x1eb: {  	[tilespmem:s14], [sflag:$0x1] =	stream.indirect_vreg.gather @p0 [hbm4b:s15+s13], $0x80, v4, vm1, $0xb8;
	[tilespmem:$0x10180] =	vst v63  }
0x1ec: {  	s14 =	simm.s32 @p0 $0x2180;
	s15 =	rddreg [dreg:$0x9]  }
0x1ed: {  	[tilespmem:s14], [sflag:$0x1] =	stream.indirect_vreg.gather @p0 [hbm4b:s15+s13], $0x80, v4, vm1, $0xb8;
	[tilespmem:$0x10180] =	vst v63  }
0x1ee: {  	s3 =	rddreg [dreg:$0xe];
	s14 =	simm.s32 @p0 $0x2980  }
0x1ef: {  	[tilespmem:s14], [sflag:$0x1] =	stream.indirect_vreg.gather @p0 [hbm4b:s5+s13], $0x80, v4, vm1, $0xb8;
	[tilespmem:$0x10180] =	vst v63  }
0x1f0: {  	s14 =	simm.s32 @p0 $0x3180;
	s5 =	rddreg [dreg:$0xb]  }
0x1f1: {  	[tilespmem:s14], [sflag:$0x1] =	stream.indirect_vreg.gather @p0 [hbm4b:s5+s13], $0x80, v4, vm1, $0xb8;
	[tilespmem:$0x10180] =	vst v63  }
0x1f2: {  	s14 =	simm.s32 @p0 $0x3980;
	s5 =	rddreg [dreg:$0xc]  }
0x1f3: {  	[tilespmem:s14], [sflag:$0x1] =	stream.indirect_vreg.gather @p0 [hbm4b:s5+s13], $0x80, v4, vm1, $0xb8;
	[tilespmem:$0x10180] =	vst v63  }
0x1f4: {  	s14 =	simm.s32 @p0 $0x4180;
	s5 =	rddreg [dreg:$0xd]  }
0x1f5: {  	[tilespmem:s14], [sflag:$0x1] =	stream.indirect_vreg.gather @p0 [hbm4b:s5+s13], $0x80, v4, vm1, $0xb8;
	[tilespmem:$0x10180] =	vst v63  }
0x1f6: {  	s1 =	rddreg [dreg:$0x11];
	s14 =	simm.s32 @p0 $0x4980  }
0x1f7: {  	[tilespmem:s14], [sflag:$0x1] =	stream.indirect_vreg.gather @p0 [hbm4b:s3+s13], $0x80, v4, vm1, $0xb8;
	[tilespmem:$0x10180] =	vst v63  }
0x1f8: {  	s14 =	simm.s32 @p0 $0x5180;
	s3 =	rddreg [dreg:$0xf]  }
0x1f9: {  	[tilespmem:s14], [sflag:$0x1] =	stream.indirect_vreg.gather @p0 [hbm4b:s3+s13], $0x80, v4, vm1, $0xb8;
	[tilespmem:$0x10180] =	vst v63  }
0x1fa: {  	s14 =	simm.s32 @p0 $0x5980;
	s3 =	rddreg [dreg:$0x10]  }
0x1fb: {  	[tilespmem:s14], [sflag:$0x1] =	stream.indirect_vreg.gather @p0 [hbm4b:s3+s13], $0x80, v4, vm1, $0xb8;
	[tilespmem:$0x10180] =	vst v63  }
0x1fc: {  	s0 =	sld [smem:$0x7EF];
	s14 =	simm.s32 @p0 $0x6180  }
0x1fd: {  	[tilespmem:s14], [sflag:$0x1] =	stream.indirect_vreg.gather @p0 [hbm4b:s1+s13], $0x80, v4, vm1, $0xb8;
	[tilespmem:$0x10180] =	vst v63  }
0x1fe: {  	s14 =	simm.s32 @p0 $0x6980;
	s1 =	rddreg [dreg:$0x12]  }
0x1ff: {  	[tilespmem:s14], [sflag:$0x1] =	stream.indirect_vreg.gather @p0 [hbm4b:s1+s13], $0x80, v4, vm1, $0xb8;
	[tilespmem:$0x10180] =	vst v63  }
0x200: {  	s14 =	simm.s32 @p0 $0x7180;
	s1 =	rddreg [dreg:$0x13]  }
0x201: {  	[tilespmem:s14], [sflag:$0x1] =	stream.indirect_vreg.gather @p0 [hbm4b:s1+s13], $0x80, v4, vm1, $0xb8;
	[tilespmem:$0x10180] =	vst v63  }
0x202: {  	s15 =	rddreg [dreg:$0x2];
	s13 =	simm.s32 @!p0 $0x0;
	s14 =	simm.s32 @!p0 $0x180  }
0x203: {  	[tilespmem:s14], [sflag:$0x1] =	stream.indirect_vreg.gather @!p0 [hbm4b:s15+s13], $0x80, v4, vm2, $0xb8;
	[tilespmem:$0x10180] =	vst v63  }
0x204: {  	s14 =	simm.s32 @!p0 $0x980  }
0x205: {  	[tilespmem:s14], [sflag:$0x1] =	stream.indirect_vreg.gather @!p0 [hbm4b:s0+s13], $0x80, v4, vm2, $0xb8;
	[tilespmem:$0x10180] =	vst v63  }
0x206: {  	s0 =	sld [smem:$0x7F0];
	_ =	sdelay $0x1  }
0x207: {  	s14 =	simm.s32 @!p0 $0x1180  }
0x208: {  	[tilespmem:s14], [sflag:$0x1] =	stream.indirect_vreg.gather @!p0 [hbm4b:s0+s13], $0x80, v4, vm2, $0xb8;
	[tilespmem:$0x10180] =	vst v63  }
0x209: {  	s0 =	sld [smem:$0x7F1];
	_ =	sdelay $0x1  }
0x20a: {  	s14 =	simm.s32 @!p0 $0x1980  }
0x20b: {  	[tilespmem:s14], [sflag:$0x1] =	stream.indirect_vreg.gather @!p0 [hbm4b:s0+s13], $0x80, v4, vm2, $0xb8;
	[tilespmem:$0x10180] =	vst v63  }
0x20c: {  	s0 =	sld [smem:$0x7F2];
	_ =	sdelay $0x1  }
0x20d: {  	s14 =	simm.s32 @!p0 $0x2180  }
0x20e: {  	[tilespmem:s14], [sflag:$0x1] =	stream.indirect_vreg.gather @!p0 [hbm4b:s0+s13], $0x80, v4, vm2, $0xb8;
	[tilespmem:$0x10180] =	vst v63  }
0x20f: {  	s0 =	sld [smem:$0x7F3];
	_ =	sdelay $0x1  }
0x210: {  	s14 =	simm.s32 @!p0 $0x2980  }
0x211: {  	[tilespmem:s14], [sflag:$0x1] =	stream.indirect_vreg.gather @!p0 [hbm4b:s0+s13], $0x80, v4, vm2, $0xb8;
	[tilespmem:$0x10180] =	vst v63  }
0x212: {  	s14 =	simm.s32 @!p0 $0x3180;
	s0 =	rddreg [dreg:$0x1d]  }
0x213: {  	[tilespmem:s14], [sflag:$0x1] =	stream.indirect_vreg.gather @!p0 [hbm4b:s0+s13], $0x80, v4, vm2, $0xb8;
	[tilespmem:$0x10180] =	vst v63  }
0x214: {  	s0 =	sld [smem:$0x7F4];
	_ =	sdelay $0x1  }
0x215: {  	s14 =	simm.s32 @!p0 $0x3980  }
0x216: {  	[tilespmem:s14], [sflag:$0x1] =	stream.indirect_vreg.gather @!p0 [hbm4b:s0+s13], $0x80, v4, vm2, $0xb8;
	[tilespmem:$0x10180] =	vst v63  }
0x217: {  	s14 =	simm.s32 @!p0 $0x4180;
	s0 =	rddreg [dreg:$0x19]  }
0x218: {  	[tilespmem:s14], [sflag:$0x1] =	stream.indirect_vreg.gather @!p0 [hbm4b:s0+s13], $0x80, v4, vm2, $0xb8;
	[tilespmem:$0x10180] =	vst v63  }
0x219: {  	s0 =	sld [smem:$0x7F5];
	_ =	sdelay $0x1  }
0x21a: {  	s14 =	simm.s32 @!p0 $0x4980  }
0x21b: {  	[tilespmem:s14], [sflag:$0x1] =	stream.indirect_vreg.gather @!p0 [hbm4b:s0+s13], $0x80, v4, vm2, $0xb8;
	[tilespmem:$0x10180] =	vst v63  }
0x21c: {  	s0 =	sld [smem:$0x7F6];
	_ =	sdelay $0x1  }
0x21d: {  	s14 =	simm.s32 @!p0 $0x5180  }
0x21e: {  	[tilespmem:s14], [sflag:$0x1] =	stream.indirect_vreg.gather @!p0 [hbm4b:s0+s13], $0x80, v4, vm2, $0xb8;
	[tilespmem:$0x10180] =	vst v63  }
0x21f: {  	s14 =	simm.s32 @!p0 $0x5980;
	s0 =	rddreg [dreg:$0x1a]  }
0x220: {  	[tilespmem:s14], [sflag:$0x1] =	stream.indirect_vreg.gather @!p0 [hbm4b:s0+s13], $0x80, v4, vm2, $0xb8;
	[tilespmem:$0x10180] =	vst v63  }
0x221: {  	s14 =	simm.s32 @!p0 $0x6180;
	s0 =	rddreg [dreg:$0x1b]  }
0x222: {  	[tilespmem:s14], [sflag:$0x1] =	stream.indirect_vreg.gather @!p0 [hbm4b:s0+s13], $0x80, v4, vm2, $0xb8;
	[tilespmem:$0x10180] =	vst v63  }
0x223: {  	s14 =	simm.s32 @!p0 $0x6980;
	s0 =	rddreg [dreg:$0x1c]  }
0x224: {  	[tilespmem:s14], [sflag:$0x1] =	stream.indirect_vreg.gather @!p0 [hbm4b:s0+s13], $0x80, v4, vm2, $0xb8;
	[tilespmem:$0x10180] =	vst v63  }
0x225: {  	s0 =	sld [smem:$0x7F7];
	_ =	sdelay $0x1  }
0x226: {  	s14 =	simm.s32 @!p0 $0x7180  }
0x227: {  	[tilespmem:s14], [sflag:$0x1] =	stream.indirect_vreg.gather @!p0 [hbm4b:s0+s13], $0x80, v4, vm2, $0xb8;
	[tilespmem:$0x10180] =	vst v63  }
0x228: {  	s26 =	simm.s32 $0x7980;
	s29 =	sld [smem:$0x7FA]  }
0x229: {  	[tilespmem:s26], [sflag:$0x1] =	stream.indirect_vreg.gather [hbm4b:s12+s4], $0x80, v4, vm0, $0xb8;
	[tilespmem:$0x10180] =	vst v63  }
0x22a: {  	s3 =	simm.s32 $0x8180  }
0x22b: {  	[hbm4b:s29+s4] =	stream.linear.scatter [tilespmem:s3], [sflag:$0x3], $0x8000, $0x38;
	[tilespmem:$0x10180] =	vst v63  }
0x22c: {  	_ =	swait.ge [sflag:s28], $0x8000  }
.Ltmp4:
0x22d: {  	[sflag:s28] =	ssyncset.done $0x0;
	(pc) =	sbr.rel @p0 .LBB2_6-.Ltmp4, $4  }
0x22e: {  	s30 =	simm.s32 $0x1;
	[sflag:s28] =	ssyncadd.s32 $0xFFFF8000  }
0x22f: {  	_ =	swait.ge [sflag:s30], $0x8000  }
0x230: {  	[sflag:s30] =	ssyncset.done $0x0  }
0x231: {  	[sflag:s30] =	ssyncadd.s32 $0xFFFF8000  }
0x232: {  	v4 =	vld.msk [tilespmem:$0x108], $0xff;
	_ =	sdelay $0x4  }
0x233: {  	v5 =	vshll.u32 v4, $0x6  }
0x234: {  	v4 =	vand.u32 $0x7, v4;
	v5 =	vand.u32 $0xFFFFFE00, v5  }
0x235: {  	v4 =	vor.u32 v4, v5  }
0x236: {  	v4 =	vperm.xlane v4, v1;
	_ =	sdelay $0x1  }
0x237: {  	v4 =	vadd.s32 v2, v4;
	_ =	sdelay $0x1  }
0x238: {  	s1 =	sld [smem:$0x7F8];
	_ =	sdelay $0x2  }
0x239: {  	[tilespmem:s3], [sflag:$0x2] =	stream.indirect_vreg.gather [hbm4b:s1+s4], $0x80, v4, vm0, $0xb8;
	[tilespmem:$0x10180] =	vst v63  }
0x23a: {  	s2 =	sadd.s32 $0x100, s1  }
0x23b: {  	[tilespmem:s6], [sflag:$0x2] =	stream.indirect_vreg.gather [hbm4b:s2+s4], $0x80, v4, vm0, $0xb8;
	[tilespmem:$0x10180] =	vst v63  }
0x23c: {  	s30 =	sadd.s32 $0x200, s1  }
0x23d: {  	[tilespmem:s31], [sflag:$0x2] =	stream.indirect_vreg.gather [hbm4b:s30+s4], $0x80, v4, vm0, $0xb8;
	[tilespmem:$0x10180] =	vst v63  }
0x23e: {  	s12 =	simm.s32 $0x9980;
	s0 =	sadd.s32 $0x300, s1  }
0x23f: {  	[tilespmem:s12], [sflag:$0x2] =	stream.indirect_vreg.gather [hbm4b:s0+s4], $0x80, v4, vm0, $0xb8;
	[tilespmem:$0x10180] =	vst v63  }
0x240: {  	s5 =	sadd.s32 $0x400, s1;
	s0 =	simm.s32 $0xA180  }
0x241: {  	[tilespmem:s0], [sflag:$0x2] =	stream.indirect_vreg.gather [hbm4b:s5+s4], $0x80, v4, vm0, $0xb8;
	[tilespmem:$0x10180] =	vst v63  }
0x242: {  	s6 =	sadd.s32 $0x500, s1  }
0x243: {  	[tilespmem:s10], [sflag:$0x2] =	stream.indirect_vreg.gather [hbm4b:s6+s4], $0x80, v4, vm0, $0xb8;
	[tilespmem:$0x10180] =	vst v63  }
0x244: {  	s13 =	sadd.s32 $0x600, s1  }
0x245: {  	[tilespmem:s25], [sflag:$0x2] =	stream.indirect_vreg.gather [hbm4b:s13+s4], $0x80, v4, vm0, $0xb8;
	[tilespmem:$0x10180] =	vst v63  }
0x246: {  	s14 =	sadd.s32 $0x700, s1  }
0x247: {  	[tilespmem:s8], [sflag:$0x2] =	stream.indirect_vreg.gather [hbm4b:s14+s4], $0x80, v4, vm0, $0xb8;
	[tilespmem:$0x10180] =	vst v63  }
0x248: {  	s15 =	sadd.s32 $0x800, s1  }
0x249: {  	[tilespmem:s17], [sflag:$0x2] =	stream.indirect_vreg.gather [hbm4b:s15+s4], $0x80, v4, vm0, $0xb8;
	[tilespmem:$0x10180] =	vst v63  }
0x24a: {  	s21 =	sadd.s32 $0x900, s1  }
0x24b: {  	[tilespmem:s11], [sflag:$0x2] =	stream.indirect_vreg.gather [hbm4b:s21+s4], $0x80, v4, vm0, $0xb8;
	[tilespmem:$0x10180] =	vst v63  }
0x24c: {  	s22 =	sadd.s32 $0xA00, s1  }
0x24d: {  	[tilespmem:s7], [sflag:$0x2] =	stream.indirect_vreg.gather [hbm4b:s22+s4], $0x80, v4, vm0, $0xb8;
	[tilespmem:$0x10180] =	vst v63  }
0x24e: {  	s25 =	sadd.s32 $0xB00, s1  }
0x24f: {  	[tilespmem:s18], [sflag:$0x2] =	stream.indirect_vreg.gather [hbm4b:s25+s4], $0x80, v4, vm0, $0xb8;
	[tilespmem:$0x10180] =	vst v63  }
0x250: {  	s26 =	sadd.s32 $0xC00, s1  }
0x251: {  	[tilespmem:s16], [sflag:$0x2] =	stream.indirect_vreg.gather [hbm4b:s26+s4], $0x80, v4, vm0, $0xb8;
	[tilespmem:$0x10180] =	vst v63  }
0x252: {  	s29 =	sadd.s32 $0xD00, s1  }
0x253: {  	[tilespmem:s23], [sflag:$0x2] =	stream.indirect_vreg.gather [hbm4b:s29+s4], $0x80, v4, vm0, $0xb8;
	[tilespmem:$0x10180] =	vst v63  }
.Ltmp5:
0x254: {  	_ = 	snop;
	(pc) =	sbr.rel .LBB2_7-.Ltmp5, $4  }
0x255: {  	s30 =	sadd.s32 $0xE00, s1  }
0x256: {  	[tilespmem:s24], [sflag:$0x2] =	stream.indirect_vreg.gather [hbm4b:s30+s4], $0x80, v4, vm0, $0xb8;
	[tilespmem:$0x10180] =	vst v63  }
0x257: {  	s31 =	sadd.s32 $0xF00, s1;
	s1 =	rddreg [dreg:$0x18]  }
0x258: {  	[tilespmem:s9], [sflag:$0x2] =	stream.indirect_vreg.gather [hbm4b:s31+s4], $0x80, v4, vm0, $0xb8;
	[tilespmem:$0x10180] =	vst v63  }
.LBB2_8:
0x259: {  	_ =	sfence.sel $0x180000  }
0x25a: {  	[bflag:$0x0] =	sbarrier.arrive $0xFFFF  }
0x25b: {  	_ =	strace $0x90000047  }
0x25c: {  	s0 =	stileid.u32;
	[bflag:$0x2] =	sbarrier.arrive $0xFFFF  }
0x25d: {  	p0 =	sne.s32 s0, $0x0;
	s0 =	rddreg [dreg:$0x4]  }
0x25e: {  	s0 =	sadd.s32 @!p0 $0x100000, s0  }
0x25f: {  	[sflag:s0] =	ssyncadd.tile.s32 @!p0 $0x1;
	_ =	shalt  }
.Lfunc_end2:
_tile_overlayer_lowered:
.L_overlay_start_2:
0x260: {  	(tag) =	ssettag $0x2  }
0x261: {  	s0 =	rddreg [dreg:$0x0];
	s2 =	stileid.u32  }
0x262: {  	s1 =	rddreg [dreg:$0x1];
	p0 =	sne.s32 s2, $0x0  }
0x263: {  	s3 =	rddreg [dreg:$0x2];
	[bflag:$0x3] =	sbarrier.arrive $0xFFFF;
	s2 =	simm.s32 @!p0 $0x1C03  }
0x264: {  	[timem:s3], [sflag:s2] =	dma.local @!p0 [hbm:s0], s1  }
0x265: {  	s0 =	simm.s32 @!p0 $0x3  }
0x266: {  	_ =	swait.ge @!p0 [sflag:s0], s1  }
0x267: {  	s1 =	ssub.s32 @!p0 $0x0, s1;
	[sflag:s0] =	ssyncset.done @!p0 $0x0  }
0x268: {  	[sflag:s0] =	ssyncadd.s32 @!p0 s1  }
0x269: {  	[bflag:$0x3] =	sbarrier.arrive $0xFFFF  }
0x26a: {  	_ =	shalt  }

</sc_bundles>
